<compile_context>
chip_gen: v7x
topology: tpu7x:2x2x1
jax: 0.10.2.dev20260603
libtpu: 0.0.44.dev20260713+nightly
codegen_flags: <defaults>
</compile_context>

<pallas_src>
import math

import jax
import jax.numpy as jnp
from jax import lax
from jax.experimental import pallas as pl
from jax.experimental.pallas import tpu as pltpu
from jax.experimental.pallas import tpu_sc as plsc

N = 10000
E = 320000
D = 128
T = 64
H = 4
DH = 16
NE = 4

NC = 2
NS = 16
NW = NC * NS

PG = 1

CB = 80
GF = 5
SCB = 80
ZW = 128

BE = 8000
BN = 2000



def _sc_gather(table, src_sl):
    es = src_sl.shape[0]
    ew = es // NW
    ni = ew // CB
    no = ni // GF
    assert ew % 8 == 0 and ew % CB == 0 and ni % GF == 0

    def body(table_hbm, src_hbm, out_hbm, idx_all, rows_v,
             idx_sem, gat_sem, out_sem):
        cid = lax.axis_index("c")
        sid = lax.axis_index("s")
        wid = sid * NC + cid
        wbase = wid * ew

        pltpu.async_copy(src_hbm.at[pl.ds(wbase, ew)], idx_all, idx_sem).wait()

        for b in range(GF):
            pltpu.async_copy(
                table_hbm.at[idx_all.at[pl.ds(b * CB, CB)]],
                rows_v.at[b], gat_sem)

        def outer(o, carry):
            g = lax.rem(o, 2)
            s0 = g * GF

            @pl.when(o >= 1)
            def _():
                for b in range(GF):
                    pltpu.make_async_copy(
                        rows_v.at[b], out_hbm.at[pl.ds(wbase, CB)],
                        out_sem).wait()

            @pl.when(o < no - 1)
            def _():
                for b in range(GF):
                    ci = (o + 1) * GF + b
                    pltpu.async_copy(
                        table_hbm.at[idx_all.at[pl.ds(ci * CB, CB)]],
                        rows_v.at[(1 - g) * GF + b], gat_sem)
            for b in range(GF):
                pltpu.make_async_copy(
                    table_hbm.at[idx_all.at[pl.ds(0, CB)]], rows_v.at[s0 + b],
                    gat_sem).wait()
            for b in range(GF):
                ci = o * GF + b
                pltpu.async_copy(rows_v.at[s0 + b],
                                 out_hbm.at[pl.ds(wbase + ci * CB, CB)],
                                 out_sem)
            return carry

        lax.fori_loop(0, no, outer, 0)
        for b in range(GF):
            pltpu.make_async_copy(
                rows_v.at[b], out_hbm.at[pl.ds(wbase, CB)], out_sem).wait()

    mesh = plsc.VectorSubcoreMesh(core_axis_name="c", subcore_axis_name="s")
    f = pl.kernel(
        body,
        out_type=jax.ShapeDtypeStruct((es, D), jnp.float32),
        mesh=mesh,
        scratch_types=[
            pltpu.VMEM((ew,), jnp.int32),
            pltpu.VMEM((2 * GF, CB, D), jnp.float32),
            pltpu.SemaphoreType.DMA,
            pltpu.SemaphoreType.DMA,
            pltpu.SemaphoreType.DMA,
        ],
    )
    return f(table, src_sl)



def _edge_body(g_ref, e_ref, wfc_ref, bfc_ref, wv_ref, a_ref, r_ref, s64_ref,
               z_ref):
    msg = jnp.maximum(g_ref[...] + e_ref[...], 0.0)
    p = jnp.dot(msg, wfc_ref[...], preferred_element_type=jnp.float32)
    p = p + bfc_ref[...]
    v = jnp.dot(p, wv_ref[...], preferred_element_type=jnp.float32)
    s = jnp.clip(jnp.dot(p, a_ref[...], preferred_element_type=jnp.float32),
                 -60.0, 60.0)
    ex = jnp.exp(s)
    exrep = jnp.dot(ex, r_ref[...], preferred_element_type=jnp.float32)
    vex = v * exrep
    extail = jnp.dot(ex, s64_ref[...], preferred_element_type=jnp.float32)
    z_ref[...] = jnp.concatenate([vex, extail], axis=1)


def _tc_edge(gathered, edge_emb, wfc, bfc, wv, a, r, s64):
    es = gathered.shape[0]
    return pl.pallas_call(
        _edge_body,
        grid=(es // BE,),
        in_specs=[
            pl.BlockSpec((BE, D), lambda i: (i, 0)),
            pl.BlockSpec((BE, D), lambda i: (i, 0)),
            pl.BlockSpec((D, T), lambda i: (0, 0)),
            pl.BlockSpec((1, T), lambda i: (0, 0)),
            pl.BlockSpec((T, T), lambda i: (0, 0)),
            pl.BlockSpec((T, H), lambda i: (0, 0)),
            pl.BlockSpec((H, T), lambda i: (0, 0)),
            pl.BlockSpec((H, T), lambda i: (0, 0)),
        ],
        out_specs=pl.BlockSpec((BE, ZW), lambda i: (i, 0)),
        out_shape=jax.ShapeDtypeStruct((es, ZW), jnp.float32),
    )(gathered, edge_emb, wfc, bfc, wv, a, r, s64)



def _sc_scatter(z_sl, dst_sl, zz):
    es = z_sl.shape[0]
    ew = es // NW
    sni = ew // SCB
    assert ew % 8 == 0 and ew % SCB == 0

    def body(z_hbm, dst2_hbm, zz_hbm, out0_hbm, out1_hbm,
             idx2_v, z_v, acc_sh, ld_sem, sc_sem):
        cid = lax.axis_index("c")
        sid = lax.axis_index("s")
        wid = sid * NC + cid
        wbase = wid * ew

        pltpu.async_copy(dst2_hbm.at[wid], idx2_v, ld_sem).wait()

        @pl.when(sid == 0)
        def _():
            pltpu.sync_copy(zz_hbm, acc_sh)

        plsc.subcore_barrier()

        pltpu.async_copy(z_hbm.at[pl.ds(wbase, SCB)], z_v.at[0], ld_sem)

        def outer(o, carry):
            g = lax.rem(o, 2)

            @pl.when(o >= 1)
            def _():
                pltpu.make_async_copy(
                    z_v.at[0], acc_sh.at[idx2_v.at[0]], sc_sem).wait()

            @pl.when(o < sni - 1)
            def _():
                pltpu.async_copy(z_hbm.at[pl.ds(wbase + (o + 1) * SCB, SCB)],
                                 z_v.at[1 - g], ld_sem)
            pltpu.make_async_copy(
                z_hbm.at[pl.ds(wbase, SCB)], z_v.at[0], ld_sem).wait()
            pltpu.async_copy(z_v.at[g], acc_sh.at[idx2_v.at[o]],
                             sc_sem, add=True)
            return carry

        lax.fori_loop(0, sni, outer, 0)
        pltpu.make_async_copy(
            z_v.at[0], acc_sh.at[idx2_v.at[0]], sc_sem).wait()

        plsc.subcore_barrier()

        @pl.when(jnp.logical_and(sid == 0, cid == 0))
        def _():
            pltpu.sync_copy(acc_sh, out0_hbm)

        @pl.when(jnp.logical_and(sid == 0, cid == 1))
        def _():
            pltpu.sync_copy(acc_sh, out1_hbm)

    mesh = plsc.VectorSubcoreMesh(core_axis_name="c", subcore_axis_name="s")
    f = pl.kernel(
        body,
        out_type=(jax.ShapeDtypeStruct((N, ZW), jnp.float32),
                  jax.ShapeDtypeStruct((N, ZW), jnp.float32)),
        mesh=mesh,
        scratch_types=[
            pltpu.VMEM((sni, SCB), jnp.int32),
            pltpu.VMEM((2, SCB, ZW), jnp.float32),
            pltpu.VMEM_SHARED((N, ZW), jnp.float32),
            pltpu.SemaphoreType.DMA,
            pltpu.SemaphoreType.DMA,
        ],
    )
    return f(z_sl, dst_sl.reshape(NW, sni, SCB), zz)



def _make_node_body(nparts):
    def body(*refs):
        part_refs = refs[:nparts]
        m_ref, wo_ref, wg_ref, wec_ref, r4_ref, k4_ref, out_ref = refs[nparts:]
        acc = part_refs[0][...]
        for pr in part_refs[1:]:
            acc = acc + pr[...]
        denrep = jnp.dot(acc, m_ref[...], preferred_element_type=jnp.float32)
        vex = acc[:, :T]
        agg = vex / (denrep + 1e-9)
        attn = jnp.dot(agg, wo_ref[...], preferred_element_type=jnp.float32)
        gl = jnp.dot(attn, wg_ref[...], preferred_element_type=jnp.float32)
        gm = jnp.max(gl, axis=1, keepdims=True)
        ge = jnp.exp(gl - gm)
        gate = ge / jnp.sum(ge, axis=1, keepdims=True)
        expf = jnp.dot(attn, wec_ref[...], preferred_element_type=jnp.float32)
        grep = jnp.dot(gate, r4_ref[...], preferred_element_type=jnp.float32)
        moe = jnp.dot(grep * expf, k4_ref[...],
                      preferred_element_type=jnp.float32)
        out_ref[...] = 1.0 / (1.0 + jnp.exp(-moe))
    return body


def _tc_node(parts, m, wo, wg, wec, r4, k4):
    nparts = len(parts)
    return pl.pallas_call(
        _make_node_body(nparts),
        grid=(N // BN,),
        in_specs=(
            [pl.BlockSpec((BN, ZW), lambda i: (i, 0)) for _ in range(nparts)]
            + [
                pl.BlockSpec((ZW, T), lambda i: (0, 0)),
                pl.BlockSpec((T, T), lambda i: (0, 0)),
                pl.BlockSpec((T, NE), lambda i: (0, 0)),
                pl.BlockSpec((T, NE * T), lambda i: (0, 0)),
                pl.BlockSpec((NE, NE * T), lambda i: (0, 0)),
                pl.BlockSpec((NE * T, T), lambda i: (0, 0)),
            ]
        ),
        out_specs=pl.BlockSpec((BN, T), lambda i: (i, 0)),
        out_shape=jax.ShapeDtypeStruct((N, T), jnp.float32),
    )(*parts, m, wo, wg, wec, r4, k4)



def kernel(src_embedding, edge_index, edge_embedding, W_fc, b_fc, q, Wk, Wv,
           Wo, Wg, We):
    f32 = jnp.float32
    src = edge_index[0].astype(jnp.int32)
    dst = edge_index[1].astype(jnp.int32)

    A = (Wk.reshape(T, H, DH) * q[None, :, :]).sum(-1) * (1.0 / math.sqrt(DH))
    R = jnp.kron(jnp.eye(H, dtype=f32), jnp.ones((1, DH), f32))
    S64 = jnp.eye(H, T, dtype=f32)
    M = jnp.concatenate(
        [jnp.zeros((T, T), f32), R, jnp.zeros((ZW - T - H, T), f32)],
        axis=0)
    WeC = We.transpose(1, 0, 2).reshape(T, NE * T)
    R4 = jnp.kron(jnp.eye(NE, dtype=f32), jnp.ones((1, T), f32))
    K4 = jnp.tile(jnp.eye(T, dtype=f32), (NE, 1))
    zz = jnp.zeros((N, ZW), f32)
    bfc = b_fc.reshape(1, T)

    eg = E // PG
    parts = []
    for i in range(PG):
        src_i = lax.slice(src, (i * eg,), ((i + 1) * eg,))
        emb_i = lax.slice(edge_embedding, (i * eg, 0), ((i + 1) * eg, D))
        dst_i = lax.slice(dst, (i * eg,), ((i + 1) * eg,))
        g_i = _sc_gather(src_embedding, src_i)
        z_i = _tc_edge(g_i, emb_i, W_fc, bfc, Wv, A, R, S64)
        p0, p1 = _sc_scatter(z_i, dst_i, zz)
        parts.extend([p0, p1])

    return _tc_node(parts, M, Wo, Wg, WeC, R4, K4)

# --- scband reference (transcript-rebuilt; emitter-appended) ---
"""Pipeline reference for scband-mcletlayer-28037546509014 (READ-ONLY COPY).

The authoritative reference and input builder live on the scoring server;
editing this copy changes nothing except your own understanding.
"""

import jax, jax.numpy as jnp
import numpy as np
import math

N = 10000    # num_nodes
E = 320000   # num_edges
D = 128      # 2 * embedding_dim
T = 64       # num_types
H = 4        # num_heads
DH = T // H
NE = 4       # experts inside MHAwithMoE (assumed)

def setup_inputs(seed: int = 0) -> dict:
    key = jax.random.key(seed)
    ks = jax.random.split(key, 12)
    inp = {}
    inp["src_embedding"] = jax.random.normal(ks[0], (N, D), dtype=jnp.float32)
    inp["edge_index"] = jax.random.randint(ks[1], (2, E), 0, N)
    inp["edge_embedding"] = jax.random.normal(ks[2], (E, D), dtype=jnp.float32)
    s = 1.0 / math.sqrt(D)
    st = 1.0 / math.sqrt(T)
    inp["W_fc"] = jax.random.normal(ks[3], (D, T), dtype=jnp.float32) * s
    inp["b_fc"] = jnp.zeros((T,), dtype=jnp.float32)
    inp["q"] = jax.random.normal(ks[4], (H, DH), dtype=jnp.float32) * (1.0 / math.sqrt(DH))
    inp["Wk"] = jax.random.normal(ks[5], (T, T), dtype=jnp.float32) * st
    inp["Wv"] = jax.random.normal(ks[6], (T, T), dtype=jnp.float32) * st
    inp["Wo"] = jax.random.normal(ks[7], (T, T), dtype=jnp.float32) * st
    inp["Wg"] = jax.random.normal(ks[8], (T, NE), dtype=jnp.float32) * st
    inp["We"] = jax.random.normal(ks[9], (NE, T, T), dtype=jnp.float32) * st
    return inp

def _forward(src_embedding, edge_embedding, W_fc, b_fc, q, Wk, Wv, Wo, Wg, We, src, dst):
    # message: fn.u_add_e('h','h','msg') then relu inside reduce_func
    msg = jax.nn.relu(src_embedding[src] + edge_embedding)                    # [E, D]
    # predict1 = self.fc(msg)
    p = msg @ W_fc + b_fc                                                     # [E, T]
    # MHAwithMoE over each node's mailbox (ragged attention via segment ops)
    k = (p @ Wk).reshape(E, H, DH)
    v = (p @ Wv).reshape(E, H, DH)
    scores = (k * q[None, :, :]).sum(-1) / math.sqrt(DH)                      # [E, H]
    smax = jax.ops.segment_max(scores, dst, num_segments=N)                   # [N, H]
    smax = jnp.where(jnp.isfinite(smax), smax, 0.0)
    ex = jnp.exp(scores - smax[dst])
    denom = jax.ops.segment_sum(ex, dst, num_segments=N)
    alpha = ex / (denom[dst] + 1e-9)                                          # segment softmax
    agg = jax.ops.segment_sum(v * alpha[:, :, None], dst, num_segments=N)     # [N, H, DH]
    attn = agg.reshape(N, T) @ Wo                                             # [N, T]
    # MoE head: gated mixture of per-type expert projections
    gate = jax.nn.softmax(attn @ Wg, axis=-1)                                 # [N, NE]
    experts = jnp.einsum('nt,ets->nes', attn, We)                             # [N, NE, T]
    moe = (gate[:, :, None] * experts).sum(axis=1)                            # [N, T]
    return jax.nn.sigmoid(moe)

def reference(src_embedding, edge_index, edge_embedding, W_fc, b_fc, q, Wk, Wv, Wo, Wg, We):
    src = edge_index[0]
    dst = edge_index[1]
    return _forward(src_embedding, edge_embedding, W_fc, b_fc, q, Wk, Wv, Wo, Wg, We, src, dst)

if __name__ == "__main__":
    import jax
    _d = setup_inputs()
    print(jax.jit(kernel)(*tuple(_d.values())))

</pallas_src>

<mosaic_0001>
#map = affine_map<(d0, d1) -> (0, 0)>
#map1 = affine_map<(d0, d1) -> (0)>
module attributes {stable_mosaic.version = 14 : i64} {
  func.func @body(%arg0: i32, %arg1: i32, %arg2: memref<10000x128xf32, #tpu.memory_space<hbm>>, %arg3: memref<320000xi32, #tpu.memory_space<hbm>>, %arg4: memref<320000x128xf32, #tpu.memory_space<hbm>>, %arg5: memref<10000xi32, #tpu.memory_space<vmem>>, %arg6: memref<10x80x128xf32, #tpu.memory_space<vmem>>, %arg7: memref<!tpu.dma_semaphore, #tpu.memory_space<semaphore_mem>>, %arg8: memref<!tpu.dma_semaphore, #tpu.memory_space<semaphore_mem>>, %arg9: memref<!tpu.dma_semaphore, #tpu.memory_space<semaphore_mem>>) attributes {dimension_semantics = [#tpu.dimension_semantics<core_parallel>, #tpu.dimension_semantics<subcore_parallel>], iteration_bounds = array<i64: 2, 16>, scalar_prefetch = 0 : i64, scratch_operands = 5 : i64, tpu.core_type = #tpu.core_type<sc_vector_subcore>, window_params = [{transform_indices = #map}, {transform_indices = #map1}, {transform_indices = #map}]} {
    %mul3A = arith.constant 2 : i32
    %mul3A_0 = arith.muli %arg1, %mul3A : i32
    %add3A = arith.addi %mul3A_0, %arg0 : i32
    %mul3A_1 = arith.constant 10000 : i32
    %mul3A_2 = arith.muli %add3A, %mul3A_1 : i32
    %dma_start3A = tpu.memref_slice %arg3[%mul3A_2] : memref<320000xi32, #tpu.memory_space<hbm>> -> memref<10000xi32, #tpu.memory_space<hbm>>
    %dma_start3A_3 = tpu.memref_slice %arg3[%mul3A_2] : memref<320000xi32, #tpu.memory_space<hbm>> -> memref<10000xi32, #tpu.memory_space<hbm>>
    tpu.enqueue_dma source(%dma_start3A_3 : memref<10000xi32, #tpu.memory_space<hbm>>) target(%arg5 : memref<10000xi32, #tpu.memory_space<vmem>>) target_semaphore(%arg7 : memref<!tpu.dma_semaphore, #tpu.memory_space<semaphore_mem>>)
    %dma_wait3A = tpu.memref_slice %arg3[%mul3A_2] : memref<320000xi32, #tpu.memory_space<hbm>> -> memref<10000xi32, #tpu.memory_space<hbm>>
    %dma_wait3A_4 = tpu.memref_slice %arg3[%mul3A_2] : memref<320000xi32, #tpu.memory_space<hbm>> -> memref<10000xi32, #tpu.memory_space<hbm>>
    tpu.wait_dma2 semaphore(%arg7 : memref<!tpu.dma_semaphore, #tpu.memory_space<semaphore_mem>>) src(%dma_wait3A_4 : memref<10000xi32, #tpu.memory_space<hbm>>) dst(%arg5 : memref<10000xi32, #tpu.memory_space<vmem>>)
    %dma_start3A_5 = arith.constant 0 : i32
    %dma_start3A_6 = arith.constant 0 : i32
    %dma_start3A_7 = arith.constant 0 : i32
    %dma_start3A_8 = tpu.memref_slice %arg6[%dma_start3A_5, %dma_start3A_6, %dma_start3A_7] : memref<10x80x128xf32, #tpu.memory_space<vmem>> -> memref<1x80x128xf32, #tpu.memory_space<vmem>>
    %dma_start3A_9 = tpu.memref_squeeze %dma_start3A_8 : memref<1x80x128xf32, #tpu.memory_space<vmem>> -> memref<80x128xf32, #tpu.memory_space<vmem>>
    %dma_start3A_10 = arith.constant 0 : i32
    %dma_start3A_11 = tpu.memref_slice %arg5[%dma_start3A_10] : memref<10000xi32, #tpu.memory_space<vmem>> -> memref<80xi32, #tpu.memory_space<vmem>>
    %dma_start3A_12 = arith.constant 0 : i32
    %dma_start3A_13 = arith.constant 0 : i32
    %dma_start3A_14 = tpu.memref_slice %arg2[%dma_start3A_12, %dma_start3A_13] : memref<10000x128xf32, #tpu.memory_space<hbm>> -> memref<10000x128xf32, #tpu.memory_space<hbm>>
    tpu.enqueue_indirect_dma source(%dma_start3A_14 : memref<10000x128xf32, #tpu.memory_space<hbm>>) target(%dma_start3A_9 : memref<80x128xf32, #tpu.memory_space<vmem>>) offsets(%dma_start3A_11 : memref<80xi32, #tpu.memory_space<vmem>>) semaphore(%arg8 : memref<!tpu.dma_semaphore, #tpu.memory_space<semaphore_mem>>)
    %dma_start3A_15 = arith.constant 1 : i32
    %dma_start3A_16 = arith.constant 0 : i32
    %dma_start3A_17 = arith.constant 0 : i32
    %dma_start3A_18 = tpu.memref_slice %arg6[%dma_start3A_15, %dma_start3A_16, %dma_start3A_17] : memref<10x80x128xf32, #tpu.memory_space<vmem>> -> memref<1x80x128xf32, #tpu.memory_space<vmem>>
    %dma_start3A_19 = tpu.memref_squeeze %dma_start3A_18 : memref<1x80x128xf32, #tpu.memory_space<vmem>> -> memref<80x128xf32, #tpu.memory_space<vmem>>
    %dma_start3A_20 = arith.constant 80 : i32
    %dma_start3A_21 = tpu.memref_slice %arg5[%dma_start3A_20] : memref<10000xi32, #tpu.memory_space<vmem>> -> memref<80xi32, #tpu.memory_space<vmem>>
    %dma_start3A_22 = arith.constant 0 : i32
    %dma_start3A_23 = arith.constant 0 : i32
    %dma_start3A_24 = tpu.memref_slice %arg2[%dma_start3A_22, %dma_start3A_23] : memref<10000x128xf32, #tpu.memory_space<hbm>> -> memref<10000x128xf32, #tpu.memory_space<hbm>>
    tpu.enqueue_indirect_dma source(%dma_start3A_24 : memref<10000x128xf32, #tpu.memory_space<hbm>>) target(%dma_start3A_19 : memref<80x128xf32, #tpu.memory_space<vmem>>) offsets(%dma_start3A_21 : memref<80xi32, #tpu.memory_space<vmem>>) semaphore(%arg8 : memref<!tpu.dma_semaphore, #tpu.memory_space<semaphore_mem>>)
    %dma_start3A_25 = arith.constant 2 : i32
    %dma_start3A_26 = arith.constant 0 : i32
    %dma_start3A_27 = arith.constant 0 : i32
    %dma_start3A_28 = tpu.memref_slice %arg6[%dma_start3A_25, %dma_start3A_26, %dma_start3A_27] : memref<10x80x128xf32, #tpu.memory_space<vmem>> -> memref<1x80x128xf32, #tpu.memory_space<vmem>>
    %dma_start3A_29 = tpu.memref_squeeze %dma_start3A_28 : memref<1x80x128xf32, #tpu.memory_space<vmem>> -> memref<80x128xf32, #tpu.memory_space<vmem>>
    %dma_start3A_30 = arith.constant 160 : i32
    %dma_start3A_31 = tpu.memref_slice %arg5[%dma_start3A_30] : memref<10000xi32, #tpu.memory_space<vmem>> -> memref<80xi32, #tpu.memory_space<vmem>>
    %dma_start3A_32 = arith.constant 0 : i32
    %dma_start3A_33 = arith.constant 0 : i32
    %dma_start3A_34 = tpu.memref_slice %arg2[%dma_start3A_32, %dma_start3A_33] : memref<10000x128xf32, #tpu.memory_space<hbm>> -> memref<10000x128xf32, #tpu.memory_space<hbm>>
    tpu.enqueue_indirect_dma source(%dma_start3A_34 : memref<10000x128xf32, #tpu.memory_space<hbm>>) target(%dma_start3A_29 : memref<80x128xf32, #tpu.memory_space<vmem>>) offsets(%dma_start3A_31 : memref<80xi32, #tpu.memory_space<vmem>>) semaphore(%arg8 : memref<!tpu.dma_semaphore, #tpu.memory_space<semaphore_mem>>)
    %dma_start3A_35 = arith.constant 3 : i32
    %dma_start3A_36 = arith.constant 0 : i32
    %dma_start3A_37 = arith.constant 0 : i32
    %dma_start3A_38 = tpu.memref_slice %arg6[%dma_start3A_35, %dma_start3A_36, %dma_start3A_37] : memref<10x80x128xf32, #tpu.memory_space<vmem>> -> memref<1x80x128xf32, #tpu.memory_space<vmem>>
    %dma_start3A_39 = tpu.memref_squeeze %dma_start3A_38 : memref<1x80x128xf32, #tpu.memory_space<vmem>> -> memref<80x128xf32, #tpu.memory_space<vmem>>
    %dma_start3A_40 = arith.constant 240 : i32
    %dma_start3A_41 = tpu.memref_slice %arg5[%dma_start3A_40] : memref<10000xi32, #tpu.memory_space<vmem>> -> memref<80xi32, #tpu.memory_space<vmem>>
    %dma_start3A_42 = arith.constant 0 : i32
    %dma_start3A_43 = arith.constant 0 : i32
    %dma_start3A_44 = tpu.memref_slice %arg2[%dma_start3A_42, %dma_start3A_43] : memref<10000x128xf32, #tpu.memory_space<hbm>> -> memref<10000x128xf32, #tpu.memory_space<hbm>>
    tpu.enqueue_indirect_dma source(%dma_start3A_44 : memref<10000x128xf32, #tpu.memory_space<hbm>>) target(%dma_start3A_39 : memref<80x128xf32, #tpu.memory_space<vmem>>) offsets(%dma_start3A_41 : memref<80xi32, #tpu.memory_space<vmem>>) semaphore(%arg8 : memref<!tpu.dma_semaphore, #tpu.memory_space<semaphore_mem>>)
    %dma_start3A_45 = arith.constant 4 : i32
    %dma_start3A_46 = arith.constant 0 : i32
    %dma_start3A_47 = arith.constant 0 : i32
    %dma_start3A_48 = tpu.memref_slice %arg6[%dma_start3A_45, %dma_start3A_46, %dma_start3A_47] : memref<10x80x128xf32, #tpu.memory_space<vmem>> -> memref<1x80x128xf32, #tpu.memory_space<vmem>>
    %dma_start3A_49 = tpu.memref_squeeze %dma_start3A_48 : memref<1x80x128xf32, #tpu.memory_space<vmem>> -> memref<80x128xf32, #tpu.memory_space<vmem>>
    %dma_start3A_50 = arith.constant 320 : i32
    %dma_start3A_51 = tpu.memref_slice %arg5[%dma_start3A_50] : memref<10000xi32, #tpu.memory_space<vmem>> -> memref<80xi32, #tpu.memory_space<vmem>>
    %dma_start3A_52 = arith.constant 0 : i32
    %dma_start3A_53 = arith.constant 0 : i32
    %dma_start3A_54 = tpu.memref_slice %arg2[%dma_start3A_52, %dma_start3A_53] : memref<10000x128xf32, #tpu.memory_space<hbm>> -> memref<10000x128xf32, #tpu.memory_space<hbm>>
    tpu.enqueue_indirect_dma source(%dma_start3A_54 : memref<10000x128xf32, #tpu.memory_space<hbm>>) target(%dma_start3A_49 : memref<80x128xf32, #tpu.memory_space<vmem>>) offsets(%dma_start3A_51 : memref<80xi32, #tpu.memory_space<vmem>>) semaphore(%arg8 : memref<!tpu.dma_semaphore, #tpu.memory_space<semaphore_mem>>)
    %scan3A = arith.constant 0 : i32
    %scan3A_55 = arith.constant 0 : i32
    %scan3A_56 = arith.constant 25 : i32
    %scan3A_57 = arith.addi %scan3A_55, %scan3A_56 : i32
    %scan3A_58 = arith.constant 1 : i32
    scf.for %scan3A_125 = %scan3A_55 to %scan3A_57 step %scan3A_58  : i32 {
      %rem3A = arith.constant 2 : i32
      %rem3A_126 = arith.remsi %scan3A_125, %rem3A : i32
      %mul3A_127 = arith.constant 5 : i32
      %mul3A_128 = arith.muli %rem3A_126, %mul3A_127 : i32
      %ge3A = arith.constant 1 : i32
      %ge3A_129 = arith.cmpi sge, %scan3A_125, %ge3A : i32
      %convert_element_type3A = arith.extui %ge3A_129 : i1 to i32
      %cond3A = arith.constant 0 : i32
      %cond3A_130 = arith.cmpi ne, %convert_element_type3A, %cond3A : i32
      scf.if %cond3A_130 {
        %dma_wait3A_295 = arith.constant 0 : i32
        %dma_wait3A_296 = arith.constant 0 : i32
        %dma_wait3A_297 = arith.constant 0 : i32
        %dma_wait3A_298 = tpu.memref_slice %arg6[%dma_wait3A_295, %dma_wait3A_296, %dma_wait3A_297] : memref<10x80x128xf32, #tpu.memory_space<vmem>> -> memref<1x80x128xf32, #tpu.memory_space<vmem>>
        %dma_wait3A_299 = tpu.memref_squeeze %dma_wait3A_298 : memref<1x80x128xf32, #tpu.memory_space<vmem>> -> memref<80x128xf32, #tpu.memory_space<vmem>>
        %dma_wait3A_300 = arith.constant 0 : i32
        %dma_wait3A_301 = tpu.memref_slice %arg4[%mul3A_2, %dma_wait3A_300] : memref<320000x128xf32, #tpu.memory_space<hbm>> -> memref<80x128xf32, #tpu.memory_space<hbm>>
        %dma_wait3A_302 = arith.constant 0 : i32
        %dma_wait3A_303 = tpu.memref_slice %arg4[%mul3A_2, %dma_wait3A_302] : memref<320000x128xf32, #tpu.memory_space<hbm>> -> memref<80x128xf32, #tpu.memory_space<hbm>>
        %dma_wait3A_304 = arith.constant 0 : i32
        %dma_wait3A_305 = arith.constant 0 : i32
        %dma_wait3A_306 = tpu.memref_slice %arg6[%dma_wait3A_295, %dma_wait3A_304, %dma_wait3A_305] : memref<10x80x128xf32, #tpu.memory_space<vmem>> -> memref<1x80x128xf32, #tpu.memory_space<vmem>>
        %dma_wait3A_307 = tpu.memref_squeeze %dma_wait3A_306 : memref<1x80x128xf32, #tpu.memory_space<vmem>> -> memref<80x128xf32, #tpu.memory_space<vmem>>
        tpu.wait_dma2 semaphore(%arg9 : memref<!tpu.dma_semaphore, #tpu.memory_space<semaphore_mem>>) src(%dma_wait3A_307 : memref<80x128xf32, #tpu.memory_space<vmem>>) dst(%dma_wait3A_303 : memref<80x128xf32, #tpu.memory_space<hbm>>)
        %dma_wait3A_308 = arith.constant 1 : i32
        %dma_wait3A_309 = arith.constant 0 : i32
        %dma_wait3A_310 = arith.constant 0 : i32
        %dma_wait3A_311 = tpu.memref_slice %arg6[%dma_wait3A_308, %dma_wait3A_309, %dma_wait3A_310] : memref<10x80x128xf32, #tpu.memory_space<vmem>> -> memref<1x80x128xf32, #tpu.memory_space<vmem>>
        %dma_wait3A_312 = tpu.memref_squeeze %dma_wait3A_311 : memref<1x80x128xf32, #tpu.memory_space<vmem>> -> memref<80x128xf32, #tpu.memory_space<vmem>>
        %dma_wait3A_313 = arith.constant 0 : i32
        %dma_wait3A_314 = tpu.memref_slice %arg4[%mul3A_2, %dma_wait3A_313] : memref<320000x128xf32, #tpu.memory_space<hbm>> -> memref<80x128xf32, #tpu.memory_space<hbm>>
        %dma_wait3A_315 = arith.constant 0 : i32
        %dma_wait3A_316 = tpu.memref_slice %arg4[%mul3A_2, %dma_wait3A_315] : memref<320000x128xf32, #tpu.memory_space<hbm>> -> memref<80x128xf32, #tpu.memory_space<hbm>>
        %dma_wait3A_317 = arith.constant 0 : i32
        %dma_wait3A_318 = arith.constant 0 : i32
        %dma_wait3A_319 = tpu.memref_slice %arg6[%dma_wait3A_308, %dma_wait3A_317, %dma_wait3A_318] : memref<10x80x128xf32, #tpu.memory_space<vmem>> -> memref<1x80x128xf32, #tpu.memory_space<vmem>>
        %dma_wait3A_320 = tpu.memref_squeeze %dma_wait3A_319 : memref<1x80x128xf32, #tpu.memory_space<vmem>> -> memref<80x128xf32, #tpu.memory_space<vmem>>
        tpu.wait_dma2 semaphore(%arg9 : memref<!tpu.dma_semaphore, #tpu.memory_space<semaphore_mem>>) src(%dma_wait3A_320 : memref<80x128xf32, #tpu.memory_space<vmem>>) dst(%dma_wait3A_316 : memref<80x128xf32, #tpu.memory_space<hbm>>)
        %dma_wait3A_321 = arith.constant 2 : i32
        %dma_wait3A_322 = arith.constant 0 : i32
        %dma_wait3A_323 = arith.constant 0 : i32
        %dma_wait3A_324 = tpu.memref_slice %arg6[%dma_wait3A_321, %dma_wait3A_322, %dma_wait3A_323] : memref<10x80x128xf32, #tpu.memory_space<vmem>> -> memref<1x80x128xf32, #tpu.memory_space<vmem>>
        %dma_wait3A_325 = tpu.memref_squeeze %dma_wait3A_324 : memref<1x80x128xf32, #tpu.memory_space<vmem>> -> memref<80x128xf32, #tpu.memory_space<vmem>>
        %dma_wait3A_326 = arith.constant 0 : i32
        %dma_wait3A_327 = tpu.memref_slice %arg4[%mul3A_2, %dma_wait3A_326] : memref<320000x128xf32, #tpu.memory_space<hbm>> -> memref<80x128xf32, #tpu.memory_space<hbm>>
        %dma_wait3A_328 = arith.constant 0 : i32
        %dma_wait3A_329 = tpu.memref_slice %arg4[%mul3A_2, %dma_wait3A_328] : memref<320000x128xf32, #tpu.memory_space<hbm>> -> memref<80x128xf32, #tpu.memory_space<hbm>>
        %dma_wait3A_330 = arith.constant 0 : i32
        %dma_wait3A_331 = arith.constant 0 : i32
        %dma_wait3A_332 = tpu.memref_slice %arg6[%dma_wait3A_321, %dma_wait3A_330, %dma_wait3A_331] : memref<10x80x128xf32, #tpu.memory_space<vmem>> -> memref<1x80x128xf32, #tpu.memory_space<vmem>>
        %dma_wait3A_333 = tpu.memref_squeeze %dma_wait3A_332 : memref<1x80x128xf32, #tpu.memory_space<vmem>> -> memref<80x128xf32, #tpu.memory_space<vmem>>
        tpu.wait_dma2 semaphore(%arg9 : memref<!tpu.dma_semaphore, #tpu.memory_space<semaphore_mem>>) src(%dma_wait3A_333 : memref<80x128xf32, #tpu.memory_space<vmem>>) dst(%dma_wait3A_329 : memref<80x128xf32, #tpu.memory_space<hbm>>)
        %dma_wait3A_334 = arith.constant 3 : i32
        %dma_wait3A_335 = arith.constant 0 : i32
        %dma_wait3A_336 = arith.constant 0 : i32
        %dma_wait3A_337 = tpu.memref_slice %arg6[%dma_wait3A_334, %dma_wait3A_335, %dma_wait3A_336] : memref<10x80x128xf32, #tpu.memory_space<vmem>> -> memref<1x80x128xf32, #tpu.memory_space<vmem>>
        %dma_wait3A_338 = tpu.memref_squeeze %dma_wait3A_337 : memref<1x80x128xf32, #tpu.memory_space<vmem>> -> memref<80x128xf32, #tpu.memory_space<vmem>>
        %dma_wait3A_339 = arith.constant 0 : i32
        %dma_wait3A_340 = tpu.memref_slice %arg4[%mul3A_2, %dma_wait3A_339] : memref<320000x128xf32, #tpu.memory_space<hbm>> -> memref<80x128xf32, #tpu.memory_space<hbm>>
        %dma_wait3A_341 = arith.constant 0 : i32
        %dma_wait3A_342 = tpu.memref_slice %arg4[%mul3A_2, %dma_wait3A_341] : memref<320000x128xf32, #tpu.memory_space<hbm>> -> memref<80x128xf32, #tpu.memory_space<hbm>>
        %dma_wait3A_343 = arith.constant 0 : i32
        %dma_wait3A_344 = arith.constant 0 : i32
        %dma_wait3A_345 = tpu.memref_slice %arg6[%dma_wait3A_334, %dma_wait3A_343, %dma_wait3A_344] : memref<10x80x128xf32, #tpu.memory_space<vmem>> -> memref<1x80x128xf32, #tpu.memory_space<vmem>>
        %dma_wait3A_346 = tpu.memref_squeeze %dma_wait3A_345 : memref<1x80x128xf32, #tpu.memory_space<vmem>> -> memref<80x128xf32, #tpu.memory_space<vmem>>
        tpu.wait_dma2 semaphore(%arg9 : memref<!tpu.dma_semaphore, #tpu.memory_space<semaphore_mem>>) src(%dma_wait3A_346 : memref<80x128xf32, #tpu.memory_space<vmem>>) dst(%dma_wait3A_342 : memref<80x128xf32, #tpu.memory_space<hbm>>)
        %dma_wait3A_347 = arith.constant 4 : i32
        %dma_wait3A_348 = arith.constant 0 : i32
        %dma_wait3A_349 = arith.constant 0 : i32
        %dma_wait3A_350 = tpu.memref_slice %arg6[%dma_wait3A_347, %dma_wait3A_348, %dma_wait3A_349] : memref<10x80x128xf32, #tpu.memory_space<vmem>> -> memref<1x80x128xf32, #tpu.memory_space<vmem>>
        %dma_wait3A_351 = tpu.memref_squeeze %dma_wait3A_350 : memref<1x80x128xf32, #tpu.memory_space<vmem>> -> memref<80x128xf32, #tpu.memory_space<vmem>>
        %dma_wait3A_352 = arith.constant 0 : i32
        %dma_wait3A_353 = tpu.memref_slice %arg4[%mul3A_2, %dma_wait3A_352] : memref<320000x128xf32, #tpu.memory_space<hbm>> -> memref<80x128xf32, #tpu.memory_space<hbm>>
        %dma_wait3A_354 = arith.constant 0 : i32
        %dma_wait3A_355 = tpu.memref_slice %arg4[%mul3A_2, %dma_wait3A_354] : memref<320000x128xf32, #tpu.memory_space<hbm>> -> memref<80x128xf32, #tpu.memory_space<hbm>>
        %dma_wait3A_356 = arith.constant 0 : i32
        %dma_wait3A_357 = arith.constant 0 : i32
        %dma_wait3A_358 = tpu.memref_slice %arg6[%dma_wait3A_347, %dma_wait3A_356, %dma_wait3A_357] : memref<10x80x128xf32, #tpu.memory_space<vmem>> -> memref<1x80x128xf32, #tpu.memory_space<vmem>>
        %dma_wait3A_359 = tpu.memref_squeeze %dma_wait3A_358 : memref<1x80x128xf32, #tpu.memory_space<vmem>> -> memref<80x128xf32, #tpu.memory_space<vmem>>
        tpu.wait_dma2 semaphore(%arg9 : memref<!tpu.dma_semaphore, #tpu.memory_space<semaphore_mem>>) src(%dma_wait3A_359 : memref<80x128xf32, #tpu.memory_space<vmem>>) dst(%dma_wait3A_355 : memref<80x128xf32, #tpu.memory_space<hbm>>)
      } else {
      }
      %lt3A = arith.constant 24 : i32
      %lt3A_131 = arith.cmpi slt, %scan3A_125, %lt3A : i32
      %convert_element_type3A_132 = arith.extui %lt3A_131 : i1 to i32
      %cond3A_133 = arith.constant 0 : i32
      %cond3A_134 = arith.cmpi ne, %convert_element_type3A_132, %cond3A_133 : i32
      scf.if %cond3A_134 {
        %add3A_295 = arith.constant 1 : i32
        %add3A_296 = arith.addi %scan3A_125, %add3A_295 : i32
        %mul3A_297 = arith.constant 5 : i32
        %mul3A_298 = arith.muli %add3A_296, %mul3A_297 : i32
        %add3A_299 = arith.constant 0 : i32
        %add3A_300 = arith.addi %mul3A_298, %add3A_299 : i32
        %mul3A_301 = arith.constant 80 : i32
        %mul3A_302 = arith.muli %add3A_300, %mul3A_301 : i32
        %sub3A = arith.constant 1 : i32
        %sub3A_303 = arith.subi %sub3A, %rem3A_126 : i32
        %mul3A_304 = arith.constant 5 : i32
        %mul3A_305 = arith.muli %sub3A_303, %mul3A_304 : i32
        %add3A_306 = arith.constant 0 : i32
        %add3A_307 = arith.addi %mul3A_305, %add3A_306 : i32
        %dma_start3A_308 = arith.constant 0 : i32
        %dma_start3A_309 = arith.constant 0 : i32
        %dma_start3A_310 = tpu.memref_slice %arg6[%add3A_307, %dma_start3A_308, %dma_start3A_309] : memref<10x80x128xf32, #tpu.memory_space<vmem>> -> memref<1x80x128xf32, #tpu.memory_space<vmem>>
        %dma_start3A_311 = tpu.memref_squeeze %dma_start3A_310 : memref<1x80x128xf32, #tpu.memory_space<vmem>> -> memref<80x128xf32, #tpu.memory_space<vmem>>
        %dma_start3A_312 = tpu.memref_slice %arg5[%mul3A_302] : memref<10000xi32, #tpu.memory_space<vmem>> -> memref<80xi32, #tpu.memory_space<vmem>>
        %dma_start3A_313 = arith.constant 0 : i32
        %dma_start3A_314 = arith.constant 0 : i32
        %dma_start3A_315 = tpu.memref_slice %arg2[%dma_start3A_313, %dma_start3A_314] : memref<10000x128xf32, #tpu.memory_space<hbm>> -> memref<10000x128xf32, #tpu.memory_space<hbm>>
        tpu.enqueue_indirect_dma source(%dma_start3A_315 : memref<10000x128xf32, #tpu.memory_space<hbm>>) target(%dma_start3A_311 : memref<80x128xf32, #tpu.memory_space<vmem>>) offsets(%dma_start3A_312 : memref<80xi32, #tpu.memory_space<vmem>>) semaphore(%arg8 : memref<!tpu.dma_semaphore, #tpu.memory_space<semaphore_mem>>)
        %add3A_316 = arith.constant 1 : i32
        %add3A_317 = arith.addi %scan3A_125, %add3A_316 : i32
        %mul3A_318 = arith.constant 5 : i32
        %mul3A_319 = arith.muli %add3A_317, %mul3A_318 : i32
        %add3A_320 = arith.constant 1 : i32
        %add3A_321 = arith.addi %mul3A_319, %add3A_320 : i32
        %mul3A_322 = arith.constant 80 : i32
        %mul3A_323 = arith.muli %add3A_321, %mul3A_322 : i32
        %sub3A_324 = arith.constant 1 : i32
        %sub3A_325 = arith.subi %sub3A_324, %rem3A_126 : i32
        %mul3A_326 = arith.constant 5 : i32
        %mul3A_327 = arith.muli %sub3A_325, %mul3A_326 : i32
        %add3A_328 = arith.constant 1 : i32
        %add3A_329 = arith.addi %mul3A_327, %add3A_328 : i32
        %dma_start3A_330 = arith.constant 0 : i32
        %dma_start3A_331 = arith.constant 0 : i32
        %dma_start3A_332 = tpu.memref_slice %arg6[%add3A_329, %dma_start3A_330, %dma_start3A_331] : memref<10x80x128xf32, #tpu.memory_space<vmem>> -> memref<1x80x128xf32, #tpu.memory_space<vmem>>
        %dma_start3A_333 = tpu.memref_squeeze %dma_start3A_332 : memref<1x80x128xf32, #tpu.memory_space<vmem>> -> memref<80x128xf32, #tpu.memory_space<vmem>>
        %dma_start3A_334 = tpu.memref_slice %arg5[%mul3A_323] : memref<10000xi32, #tpu.memory_space<vmem>> -> memref<80xi32, #tpu.memory_space<vmem>>
        %dma_start3A_335 = arith.constant 0 : i32
        %dma_start3A_336 = arith.constant 0 : i32
        %dma_start3A_337 = tpu.memref_slice %arg2[%dma_start3A_335, %dma_start3A_336] : memref<10000x128xf32, #tpu.memory_space<hbm>> -> memref<10000x128xf32, #tpu.memory_space<hbm>>
        tpu.enqueue_indirect_dma source(%dma_start3A_337 : memref<10000x128xf32, #tpu.memory_space<hbm>>) target(%dma_start3A_333 : memref<80x128xf32, #tpu.memory_space<vmem>>) offsets(%dma_start3A_334 : memref<80xi32, #tpu.memory_space<vmem>>) semaphore(%arg8 : memref<!tpu.dma_semaphore, #tpu.memory_space<semaphore_mem>>)
        %add3A_338 = arith.constant 1 : i32
        %add3A_339 = arith.addi %scan3A_125, %add3A_338 : i32
        %mul3A_340 = arith.constant 5 : i32
        %mul3A_341 = arith.muli %add3A_339, %mul3A_340 : i32
        %add3A_342 = arith.constant 2 : i32
        %add3A_343 = arith.addi %mul3A_341, %add3A_342 : i32
        %mul3A_344 = arith.constant 80 : i32
        %mul3A_345 = arith.muli %add3A_343, %mul3A_344 : i32
        %sub3A_346 = arith.constant 1 : i32
        %sub3A_347 = arith.subi %sub3A_346, %rem3A_126 : i32
        %mul3A_348 = arith.constant 5 : i32
        %mul3A_349 = arith.muli %sub3A_347, %mul3A_348 : i32
        %add3A_350 = arith.constant 2 : i32
        %add3A_351 = arith.addi %mul3A_349, %add3A_350 : i32
        %dma_start3A_352 = arith.constant 0 : i32
        %dma_start3A_353 = arith.constant 0 : i32
        %dma_start3A_354 = tpu.memref_slice %arg6[%add3A_351, %dma_start3A_352, %dma_start3A_353] : memref<10x80x128xf32, #tpu.memory_space<vmem>> -> memref<1x80x128xf32, #tpu.memory_space<vmem>>
        %dma_start3A_355 = tpu.memref_squeeze %dma_start3A_354 : memref<1x80x128xf32, #tpu.memory_space<vmem>> -> memref<80x128xf32, #tpu.memory_space<vmem>>
        %dma_start3A_356 = tpu.memref_slice %arg5[%mul3A_345] : memref<10000xi32, #tpu.memory_space<vmem>> -> memref<80xi32, #tpu.memory_space<vmem>>
        %dma_start3A_357 = arith.constant 0 : i32
        %dma_start3A_358 = arith.constant 0 : i32
        %dma_start3A_359 = tpu.memref_slice %arg2[%dma_start3A_357, %dma_start3A_358] : memref<10000x128xf32, #tpu.memory_space<hbm>> -> memref<10000x128xf32, #tpu.memory_space<hbm>>
        tpu.enqueue_indirect_dma source(%dma_start3A_359 : memref<10000x128xf32, #tpu.memory_space<hbm>>) target(%dma_start3A_355 : memref<80x128xf32, #tpu.memory_space<vmem>>) offsets(%dma_start3A_356 : memref<80xi32, #tpu.memory_space<vmem>>) semaphore(%arg8 : memref<!tpu.dma_semaphore, #tpu.memory_space<semaphore_mem>>)
        %add3A_360 = arith.constant 1 : i32
        %add3A_361 = arith.addi %scan3A_125, %add3A_360 : i32
        %mul3A_362 = arith.constant 5 : i32
        %mul3A_363 = arith.muli %add3A_361, %mul3A_362 : i32
        %add3A_364 = arith.constant 3 : i32
        %add3A_365 = arith.addi %mul3A_363, %add3A_364 : i32
        %mul3A_366 = arith.constant 80 : i32
        %mul3A_367 = arith.muli %add3A_365, %mul3A_366 : i32
        %sub3A_368 = arith.constant 1 : i32
        %sub3A_369 = arith.subi %sub3A_368, %rem3A_126 : i32
        %mul3A_370 = arith.constant 5 : i32
        %mul3A_371 = arith.muli %sub3A_369, %mul3A_370 : i32
        %add3A_372 = arith.constant 3 : i32
        %add3A_373 = arith.addi %mul3A_371, %add3A_372 : i32
        %dma_start3A_374 = arith.constant 0 : i32
        %dma_start3A_375 = arith.constant 0 : i32
        %dma_start3A_376 = tpu.memref_slice %arg6[%add3A_373, %dma_start3A_374, %dma_start3A_375] : memref<10x80x128xf32, #tpu.memory_space<vmem>> -> memref<1x80x128xf32, #tpu.memory_space<vmem>>
        %dma_start3A_377 = tpu.memref_squeeze %dma_start3A_376 : memref<1x80x128xf32, #tpu.memory_space<vmem>> -> memref<80x128xf32, #tpu.memory_space<vmem>>
        %dma_start3A_378 = tpu.memref_slice %arg5[%mul3A_367] : memref<10000xi32, #tpu.memory_space<vmem>> -> memref<80xi32, #tpu.memory_space<vmem>>
        %dma_start3A_379 = arith.constant 0 : i32
        %dma_start3A_380 = arith.constant 0 : i32
        %dma_start3A_381 = tpu.memref_slice %arg2[%dma_start3A_379, %dma_start3A_380] : memref<10000x128xf32, #tpu.memory_space<hbm>> -> memref<10000x128xf32, #tpu.memory_space<hbm>>
        tpu.enqueue_indirect_dma source(%dma_start3A_381 : memref<10000x128xf32, #tpu.memory_space<hbm>>) target(%dma_start3A_377 : memref<80x128xf32, #tpu.memory_space<vmem>>) offsets(%dma_start3A_378 : memref<80xi32, #tpu.memory_space<vmem>>) semaphore(%arg8 : memref<!tpu.dma_semaphore, #tpu.memory_space<semaphore_mem>>)
        %add3A_382 = arith.constant 1 : i32
        %add3A_383 = arith.addi %scan3A_125, %add3A_382 : i32
        %mul3A_384 = arith.constant 5 : i32
        %mul3A_385 = arith.muli %add3A_383, %mul3A_384 : i32
        %add3A_386 = arith.constant 4 : i32
        %add3A_387 = arith.addi %mul3A_385, %add3A_386 : i32
        %mul3A_388 = arith.constant 80 : i32
        %mul3A_389 = arith.muli %add3A_387, %mul3A_388 : i32
        %sub3A_390 = arith.constant 1 : i32
        %sub3A_391 = arith.subi %sub3A_390, %rem3A_126 : i32
        %mul3A_392 = arith.constant 5 : i32
        %mul3A_393 = arith.muli %sub3A_391, %mul3A_392 : i32
        %add3A_394 = arith.constant 4 : i32
        %add3A_395 = arith.addi %mul3A_393, %add3A_394 : i32
        %dma_start3A_396 = arith.constant 0 : i32
        %dma_start3A_397 = arith.constant 0 : i32
        %dma_start3A_398 = tpu.memref_slice %arg6[%add3A_395, %dma_start3A_396, %dma_start3A_397] : memref<10x80x128xf32, #tpu.memory_space<vmem>> -> memref<1x80x128xf32, #tpu.memory_space<vmem>>
        %dma_start3A_399 = tpu.memref_squeeze %dma_start3A_398 : memref<1x80x128xf32, #tpu.memory_space<vmem>> -> memref<80x128xf32, #tpu.memory_space<vmem>>
        %dma_start3A_400 = tpu.memref_slice %arg5[%mul3A_389] : memref<10000xi32, #tpu.memory_space<vmem>> -> memref<80xi32, #tpu.memory_space<vmem>>
        %dma_start3A_401 = arith.constant 0 : i32
        %dma_start3A_402 = arith.constant 0 : i32
        %dma_start3A_403 = tpu.memref_slice %arg2[%dma_start3A_401, %dma_start3A_402] : memref<10000x128xf32, #tpu.memory_space<hbm>> -> memref<10000x128xf32, #tpu.memory_space<hbm>>
        tpu.enqueue_indirect_dma source(%dma_start3A_403 : memref<10000x128xf32, #tpu.memory_space<hbm>>) target(%dma_start3A_399 : memref<80x128xf32, #tpu.memory_space<vmem>>) offsets(%dma_start3A_400 : memref<80xi32, #tpu.memory_space<vmem>>) semaphore(%arg8 : memref<!tpu.dma_semaphore, #tpu.memory_space<semaphore_mem>>)
      } else {
      }
      %add3A_135 = arith.constant 0 : i32
      %add3A_136 = arith.addi %mul3A_128, %add3A_135 : i32
      %dma_wait3A_137 = arith.constant 0 : i32
      %dma_wait3A_138 = arith.constant 0 : i32
      %dma_wait3A_139 = tpu.memref_slice %arg6[%add3A_136, %dma_wait3A_137, %dma_wait3A_138] : memref<10x80x128xf32, #tpu.memory_space<vmem>> -> memref<1x80x128xf32, #tpu.memory_space<vmem>>
      %dma_wait3A_140 = tpu.memref_squeeze %dma_wait3A_139 : memref<1x80x128xf32, #tpu.memory_space<vmem>> -> memref<80x128xf32, #tpu.memory_space<vmem>>
      %dma_wait3A_141 = arith.constant 0 : i32
      %dma_wait3A_142 = tpu.memref_slice %arg5[%dma_wait3A_141] : memref<10000xi32, #tpu.memory_space<vmem>> -> memref<80xi32, #tpu.memory_space<vmem>>
      %dma_wait3A_143 = arith.constant 0 : i32
      %dma_wait3A_144 = arith.constant 0 : i32
      %dma_wait3A_145 = tpu.memref_slice %arg2[%dma_wait3A_143, %dma_wait3A_144] : memref<10000x128xf32, #tpu.memory_space<hbm>> -> memref<10000x128xf32, #tpu.memory_space<hbm>>
      tpu.wait_indirect_dma semaphore(%arg8 : memref<!tpu.dma_semaphore, #tpu.memory_space<semaphore_mem>>) src(%dma_wait3A_145 : memref<10000x128xf32, #tpu.memory_space<hbm>>) dst(%dma_wait3A_140 : memref<80x128xf32, #tpu.memory_space<vmem>>)
      %add3A_146 = arith.constant 1 : i32
      %add3A_147 = arith.addi %mul3A_128, %add3A_146 : i32
      %dma_wait3A_148 = arith.constant 0 : i32
      %dma_wait3A_149 = arith.constant 0 : i32
      %dma_wait3A_150 = tpu.memref_slice %arg6[%add3A_147, %dma_wait3A_148, %dma_wait3A_149] : memref<10x80x128xf32, #tpu.memory_space<vmem>> -> memref<1x80x128xf32, #tpu.memory_space<vmem>>
      %dma_wait3A_151 = tpu.memref_squeeze %dma_wait3A_150 : memref<1x80x128xf32, #tpu.memory_space<vmem>> -> memref<80x128xf32, #tpu.memory_space<vmem>>
      %dma_wait3A_152 = arith.constant 0 : i32
      %dma_wait3A_153 = tpu.memref_slice %arg5[%dma_wait3A_152] : memref<10000xi32, #tpu.memory_space<vmem>> -> memref<80xi32, #tpu.memory_space<vmem>>
      %dma_wait3A_154 = arith.constant 0 : i32
      %dma_wait3A_155 = arith.constant 0 : i32
      %dma_wait3A_156 = tpu.memref_slice %arg2[%dma_wait3A_154, %dma_wait3A_155] : memref<10000x128xf32, #tpu.memory_space<hbm>> -> memref<10000x128xf32, #tpu.memory_space<hbm>>
      tpu.wait_indirect_dma semaphore(%arg8 : memref<!tpu.dma_semaphore, #tpu.memory_space<semaphore_mem>>) src(%dma_wait3A_156 : memref<10000x128xf32, #tpu.memory_space<hbm>>) dst(%dma_wait3A_151 : memref<80x128xf32, #tpu.memory_space<vmem>>)
      %add3A_157 = arith.constant 2 : i32
      %add3A_158 = arith.addi %mul3A_128, %add3A_157 : i32
      %dma_wait3A_159 = arith.constant 0 : i32
      %dma_wait3A_160 = arith.constant 0 : i32
      %dma_wait3A_161 = tpu.memref_slice %arg6[%add3A_158, %dma_wait3A_159, %dma_wait3A_160] : memref<10x80x128xf32, #tpu.memory_space<vmem>> -> memref<1x80x128xf32, #tpu.memory_space<vmem>>
      %dma_wait3A_162 = tpu.memref_squeeze %dma_wait3A_161 : memref<1x80x128xf32, #tpu.memory_space<vmem>> -> memref<80x128xf32, #tpu.memory_space<vmem>>
      %dma_wait3A_163 = arith.constant 0 : i32
      %dma_wait3A_164 = tpu.memref_slice %arg5[%dma_wait3A_163] : memref<10000xi32, #tpu.memory_space<vmem>> -> memref<80xi32, #tpu.memory_space<vmem>>
      %dma_wait3A_165 = arith.constant 0 : i32
      %dma_wait3A_166 = arith.constant 0 : i32
      %dma_wait3A_167 = tpu.memref_slice %arg2[%dma_wait3A_165, %dma_wait3A_166] : memref<10000x128xf32, #tpu.memory_space<hbm>> -> memref<10000x128xf32, #tpu.memory_space<hbm>>
      tpu.wait_indirect_dma semaphore(%arg8 : memref<!tpu.dma_semaphore, #tpu.memory_space<semaphore_mem>>) src(%dma_wait3A_167 : memref<10000x128xf32, #tpu.memory_space<hbm>>) dst(%dma_wait3A_162 : memref<80x128xf32, #tpu.memory_space<vmem>>)
      %add3A_168 = arith.constant 3 : i32
      %add3A_169 = arith.addi %mul3A_128, %add3A_168 : i32
      %dma_wait3A_170 = arith.constant 0 : i32
      %dma_wait3A_171 = arith.constant 0 : i32
      %dma_wait3A_172 = tpu.memref_slice %arg6[%add3A_169, %dma_wait3A_170, %dma_wait3A_171] : memref<10x80x128xf32, #tpu.memory_space<vmem>> -> memref<1x80x128xf32, #tpu.memory_space<vmem>>
      %dma_wait3A_173 = tpu.memref_squeeze %dma_wait3A_172 : memref<1x80x128xf32, #tpu.memory_space<vmem>> -> memref<80x128xf32, #tpu.memory_space<vmem>>
      %dma_wait3A_174 = arith.constant 0 : i32
      %dma_wait3A_175 = tpu.memref_slice %arg5[%dma_wait3A_174] : memref<10000xi32, #tpu.memory_space<vmem>> -> memref<80xi32, #tpu.memory_space<vmem>>
      %dma_wait3A_176 = arith.constant 0 : i32
      %dma_wait3A_177 = arith.constant 0 : i32
      %dma_wait3A_178 = tpu.memref_slice %arg2[%dma_wait3A_176, %dma_wait3A_177] : memref<10000x128xf32, #tpu.memory_space<hbm>> -> memref<10000x128xf32, #tpu.memory_space<hbm>>
      tpu.wait_indirect_dma semaphore(%arg8 : memref<!tpu.dma_semaphore, #tpu.memory_space<semaphore_mem>>) src(%dma_wait3A_178 : memref<10000x128xf32, #tpu.memory_space<hbm>>) dst(%dma_wait3A_173 : memref<80x128xf32, #tpu.memory_space<vmem>>)
      %add3A_179 = arith.constant 4 : i32
      %add3A_180 = arith.addi %mul3A_128, %add3A_179 : i32
      %dma_wait3A_181 = arith.constant 0 : i32
      %dma_wait3A_182 = arith.constant 0 : i32
      %dma_wait3A_183 = tpu.memref_slice %arg6[%add3A_180, %dma_wait3A_181, %dma_wait3A_182] : memref<10x80x128xf32, #tpu.memory_space<vmem>> -> memref<1x80x128xf32, #tpu.memory_space<vmem>>
      %dma_wait3A_184 = tpu.memref_squeeze %dma_wait3A_183 : memref<1x80x128xf32, #tpu.memory_space<vmem>> -> memref<80x128xf32, #tpu.memory_space<vmem>>
      %dma_wait3A_185 = arith.constant 0 : i32
      %dma_wait3A_186 = tpu.memref_slice %arg5[%dma_wait3A_185] : memref<10000xi32, #tpu.memory_space<vmem>> -> memref<80xi32, #tpu.memory_space<vmem>>
      %dma_wait3A_187 = arith.constant 0 : i32
      %dma_wait3A_188 = arith.constant 0 : i32
      %dma_wait3A_189 = tpu.memref_slice %arg2[%dma_wait3A_187, %dma_wait3A_188] : memref<10000x128xf32, #tpu.memory_space<hbm>> -> memref<10000x128xf32, #tpu.memory_space<hbm>>
      tpu.wait_indirect_dma semaphore(%arg8 : memref<!tpu.dma_semaphore, #tpu.memory_space<semaphore_mem>>) src(%dma_wait3A_189 : memref<10000x128xf32, #tpu.memory_space<hbm>>) dst(%dma_wait3A_184 : memref<80x128xf32, #tpu.memory_space<vmem>>)
      %mul3A_190 = arith.constant 5 : i32
      %mul3A_191 = arith.muli %scan3A_125, %mul3A_190 : i32
      %add3A_192 = arith.constant 0 : i32
      %add3A_193 = arith.addi %mul3A_191, %add3A_192 : i32
      %add3A_194 = arith.constant 0 : i32
      %add3A_195 = arith.addi %mul3A_128, %add3A_194 : i32
      %mul3A_196 = arith.constant 80 : i32
      %mul3A_197 = arith.muli %add3A_193, %mul3A_196 : i32
      %add3A_198 = arith.addi %mul3A_2, %mul3A_197 : i32
      %dma_start3A_199 = arith.constant 0 : i32
      %dma_start3A_200 = arith.constant 0 : i32
      %dma_start3A_201 = tpu.memref_slice %arg6[%add3A_195, %dma_start3A_199, %dma_start3A_200] : memref<10x80x128xf32, #tpu.memory_space<vmem>> -> memref<1x80x128xf32, #tpu.memory_space<vmem>>
      %dma_start3A_202 = tpu.memref_squeeze %dma_start3A_201 : memref<1x80x128xf32, #tpu.memory_space<vmem>> -> memref<80x128xf32, #tpu.memory_space<vmem>>
      %dma_start3A_203 = arith.constant 0 : i32
      %dma_start3A_204 = tpu.memref_slice %arg4[%add3A_198, %dma_start3A_203] : memref<320000x128xf32, #tpu.memory_space<hbm>> -> memref<80x128xf32, #tpu.memory_space<hbm>>
      %dma_start3A_205 = arith.constant 0 : i32
      %dma_start3A_206 = tpu.memref_slice %arg4[%add3A_198, %dma_start3A_205] : memref<320000x128xf32, #tpu.memory_space<hbm>> -> memref<80x128xf32, #tpu.memory_space<hbm>>
      %dma_start3A_207 = arith.constant 0 : i32
      %dma_start3A_208 = arith.constant 0 : i32
      %dma_start3A_209 = tpu.memref_slice %arg6[%add3A_195, %dma_start3A_207, %dma_start3A_208] : memref<10x80x128xf32, #tpu.memory_space<vmem>> -> memref<1x80x128xf32, #tpu.memory_space<vmem>>
      %dma_start3A_210 = tpu.memref_squeeze %dma_start3A_209 : memref<1x80x128xf32, #tpu.memory_space<vmem>> -> memref<80x128xf32, #tpu.memory_space<vmem>>
      tpu.enqueue_dma source(%dma_start3A_210 : memref<80x128xf32, #tpu.memory_space<vmem>>) target(%dma_start3A_206 : memref<80x128xf32, #tpu.memory_space<hbm>>) target_semaphore(%arg9 : memref<!tpu.dma_semaphore, #tpu.memory_space<semaphore_mem>>)
      %mul3A_211 = arith.constant 5 : i32
      %mul3A_212 = arith.muli %scan3A_125, %mul3A_211 : i32
      %add3A_213 = arith.constant 1 : i32
      %add3A_214 = arith.addi %mul3A_212, %add3A_213 : i32
      %add3A_215 = arith.constant 1 : i32
      %add3A_216 = arith.addi %mul3A_128, %add3A_215 : i32
      %mul3A_217 = arith.constant 80 : i32
      %mul3A_218 = arith.muli %add3A_214, %mul3A_217 : i32
      %add3A_219 = arith.addi %mul3A_2, %mul3A_218 : i32
      %dma_start3A_220 = arith.constant 0 : i32
      %dma_start3A_221 = arith.constant 0 : i32
      %dma_start3A_222 = tpu.memref_slice %arg6[%add3A_216, %dma_start3A_220, %dma_start3A_221] : memref<10x80x128xf32, #tpu.memory_space<vmem>> -> memref<1x80x128xf32, #tpu.memory_space<vmem>>
      %dma_start3A_223 = tpu.memref_squeeze %dma_start3A_222 : memref<1x80x128xf32, #tpu.memory_space<vmem>> -> memref<80x128xf32, #tpu.memory_space<vmem>>
      %dma_start3A_224 = arith.constant 0 : i32
      %dma_start3A_225 = tpu.memref_slice %arg4[%add3A_219, %dma_start3A_224] : memref<320000x128xf32, #tpu.memory_space<hbm>> -> memref<80x128xf32, #tpu.memory_space<hbm>>
      %dma_start3A_226 = arith.constant 0 : i32
      %dma_start3A_227 = tpu.memref_slice %arg4[%add3A_219, %dma_start3A_226] : memref<320000x128xf32, #tpu.memory_space<hbm>> -> memref<80x128xf32, #tpu.memory_space<hbm>>
      %dma_start3A_228 = arith.constant 0 : i32
      %dma_start3A_229 = arith.constant 0 : i32
      %dma_start3A_230 = tpu.memref_slice %arg6[%add3A_216, %dma_start3A_228, %dma_start3A_229] : memref<10x80x128xf32, #tpu.memory_space<vmem>> -> memref<1x80x128xf32, #tpu.memory_space<vmem>>
      %dma_start3A_231 = tpu.memref_squeeze %dma_start3A_230 : memref<1x80x128xf32, #tpu.memory_space<vmem>> -> memref<80x128xf32, #tpu.memory_space<vmem>>
      tpu.enqueue_dma source(%dma_start3A_231 : memref<80x128xf32, #tpu.memory_space<vmem>>) target(%dma_start3A_227 : memref<80x128xf32, #tpu.memory_space<hbm>>) target_semaphore(%arg9 : memref<!tpu.dma_semaphore, #tpu.memory_space<semaphore_mem>>)
      %mul3A_232 = arith.constant 5 : i32
      %mul3A_233 = arith.muli %scan3A_125, %mul3A_232 : i32
      %add3A_234 = arith.constant 2 : i32
      %add3A_235 = arith.addi %mul3A_233, %add3A_234 : i32
      %add3A_236 = arith.constant 2 : i32
      %add3A_237 = arith.addi %mul3A_128, %add3A_236 : i32
      %mul3A_238 = arith.constant 80 : i32
      %mul3A_239 = arith.muli %add3A_235, %mul3A_238 : i32
      %add3A_240 = arith.addi %mul3A_2, %mul3A_239 : i32
      %dma_start3A_241 = arith.constant 0 : i32
      %dma_start3A_242 = arith.constant 0 : i32
      %dma_start3A_243 = tpu.memref_slice %arg6[%add3A_237, %dma_start3A_241, %dma_start3A_242] : memref<10x80x128xf32, #tpu.memory_space<vmem>> -> memref<1x80x128xf32, #tpu.memory_space<vmem>>
      %dma_start3A_244 = tpu.memref_squeeze %dma_start3A_243 : memref<1x80x128xf32, #tpu.memory_space<vmem>> -> memref<80x128xf32, #tpu.memory_space<vmem>>
      %dma_start3A_245 = arith.constant 0 : i32
      %dma_start3A_246 = tpu.memref_slice %arg4[%add3A_240, %dma_start3A_245] : memref<320000x128xf32, #tpu.memory_space<hbm>> -> memref<80x128xf32, #tpu.memory_space<hbm>>
      %dma_start3A_247 = arith.constant 0 : i32
      %dma_start3A_248 = tpu.memref_slice %arg4[%add3A_240, %dma_start3A_247] : memref<320000x128xf32, #tpu.memory_space<hbm>> -> memref<80x128xf32, #tpu.memory_space<hbm>>
      %dma_start3A_249 = arith.constant 0 : i32
      %dma_start3A_250 = arith.constant 0 : i32
      %dma_start3A_251 = tpu.memref_slice %arg6[%add3A_237, %dma_start3A_249, %dma_start3A_250] : memref<10x80x128xf32, #tpu.memory_space<vmem>> -> memref<1x80x128xf32, #tpu.memory_space<vmem>>
      %dma_start3A_252 = tpu.memref_squeeze %dma_start3A_251 : memref<1x80x128xf32, #tpu.memory_space<vmem>> -> memref<80x128xf32, #tpu.memory_space<vmem>>
      tpu.enqueue_dma source(%dma_start3A_252 : memref<80x128xf32, #tpu.memory_space<vmem>>) target(%dma_start3A_248 : memref<80x128xf32, #tpu.memory_space<hbm>>) target_semaphore(%arg9 : memref<!tpu.dma_semaphore, #tpu.memory_space<semaphore_mem>>)
      %mul3A_253 = arith.constant 5 : i32
      %mul3A_254 = arith.muli %scan3A_125, %mul3A_253 : i32
      %add3A_255 = arith.constant 3 : i32
      %add3A_256 = arith.addi %mul3A_254, %add3A_255 : i32
      %add3A_257 = arith.constant 3 : i32
      %add3A_258 = arith.addi %mul3A_128, %add3A_257 : i32
      %mul3A_259 = arith.constant 80 : i32
      %mul3A_260 = arith.muli %add3A_256, %mul3A_259 : i32
      %add3A_261 = arith.addi %mul3A_2, %mul3A_260 : i32
      %dma_start3A_262 = arith.constant 0 : i32
      %dma_start3A_263 = arith.constant 0 : i32
      %dma_start3A_264 = tpu.memref_slice %arg6[%add3A_258, %dma_start3A_262, %dma_start3A_263] : memref<10x80x128xf32, #tpu.memory_space<vmem>> -> memref<1x80x128xf32, #tpu.memory_space<vmem>>
      %dma_start3A_265 = tpu.memref_squeeze %dma_start3A_264 : memref<1x80x128xf32, #tpu.memory_space<vmem>> -> memref<80x128xf32, #tpu.memory_space<vmem>>
      %dma_start3A_266 = arith.constant 0 : i32
      %dma_start3A_267 = tpu.memref_slice %arg4[%add3A_261, %dma_start3A_266] : memref<320000x128xf32, #tpu.memory_space<hbm>> -> memref<80x128xf32, #tpu.memory_space<hbm>>
      %dma_start3A_268 = arith.constant 0 : i32
      %dma_start3A_269 = tpu.memref_slice %arg4[%add3A_261, %dma_start3A_268] : memref<320000x128xf32, #tpu.memory_space<hbm>> -> memref<80x128xf32, #tpu.memory_space<hbm>>
      %dma_start3A_270 = arith.constant 0 : i32
      %dma_start3A_271 = arith.constant 0 : i32
      %dma_start3A_272 = tpu.memref_slice %arg6[%add3A_258, %dma_start3A_270, %dma_start3A_271] : memref<10x80x128xf32, #tpu.memory_space<vmem>> -> memref<1x80x128xf32, #tpu.memory_space<vmem>>
      %dma_start3A_273 = tpu.memref_squeeze %dma_start3A_272 : memref<1x80x128xf32, #tpu.memory_space<vmem>> -> memref<80x128xf32, #tpu.memory_space<vmem>>
      tpu.enqueue_dma source(%dma_start3A_273 : memref<80x128xf32, #tpu.memory_space<vmem>>) target(%dma_start3A_269 : memref<80x128xf32, #tpu.memory_space<hbm>>) target_semaphore(%arg9 : memref<!tpu.dma_semaphore, #tpu.memory_space<semaphore_mem>>)
      %mul3A_274 = arith.constant 5 : i32
      %mul3A_275 = arith.muli %scan3A_125, %mul3A_274 : i32
      %add3A_276 = arith.constant 4 : i32
      %add3A_277 = arith.addi %mul3A_275, %add3A_276 : i32
      %add3A_278 = arith.constant 4 : i32
      %add3A_279 = arith.addi %mul3A_128, %add3A_278 : i32
      %mul3A_280 = arith.constant 80 : i32
      %mul3A_281 = arith.muli %add3A_277, %mul3A_280 : i32
      %add3A_282 = arith.addi %mul3A_2, %mul3A_281 : i32
      %dma_start3A_283 = arith.constant 0 : i32
      %dma_start3A_284 = arith.constant 0 : i32
      %dma_start3A_285 = tpu.memref_slice %arg6[%add3A_279, %dma_start3A_283, %dma_start3A_284] : memref<10x80x128xf32, #tpu.memory_space<vmem>> -> memref<1x80x128xf32, #tpu.memory_space<vmem>>
      %dma_start3A_286 = tpu.memref_squeeze %dma_start3A_285 : memref<1x80x128xf32, #tpu.memory_space<vmem>> -> memref<80x128xf32, #tpu.memory_space<vmem>>
      %dma_start3A_287 = arith.constant 0 : i32
      %dma_start3A_288 = tpu.memref_slice %arg4[%add3A_282, %dma_start3A_287] : memref<320000x128xf32, #tpu.memory_space<hbm>> -> memref<80x128xf32, #tpu.memory_space<hbm>>
      %dma_start3A_289 = arith.constant 0 : i32
      %dma_start3A_290 = tpu.memref_slice %arg4[%add3A_282, %dma_start3A_289] : memref<320000x128xf32, #tpu.memory_space<hbm>> -> memref<80x128xf32, #tpu.memory_space<hbm>>
      %dma_start3A_291 = arith.constant 0 : i32
      %dma_start3A_292 = arith.constant 0 : i32
      %dma_start3A_293 = tpu.memref_slice %arg6[%add3A_279, %dma_start3A_291, %dma_start3A_292] : memref<10x80x128xf32, #tpu.memory_space<vmem>> -> memref<1x80x128xf32, #tpu.memory_space<vmem>>
      %dma_start3A_294 = tpu.memref_squeeze %dma_start3A_293 : memref<1x80x128xf32, #tpu.memory_space<vmem>> -> memref<80x128xf32, #tpu.memory_space<vmem>>
      tpu.enqueue_dma source(%dma_start3A_294 : memref<80x128xf32, #tpu.memory_space<vmem>>) target(%dma_start3A_290 : memref<80x128xf32, #tpu.memory_space<hbm>>) target_semaphore(%arg9 : memref<!tpu.dma_semaphore, #tpu.memory_space<semaphore_mem>>)
    }
    %scan3A_59 = arith.constant 25 : i32
    %dma_wait3A_60 = arith.constant 0 : i32
    %dma_wait3A_61 = arith.constant 0 : i32
    %dma_wait3A_62 = arith.constant 0 : i32
    %dma_wait3A_63 = tpu.memref_slice %arg6[%dma_wait3A_60, %dma_wait3A_61, %dma_wait3A_62] : memref<10x80x128xf32, #tpu.memory_space<vmem>> -> memref<1x80x128xf32, #tpu.memory_space<vmem>>
    %dma_wait3A_64 = tpu.memref_squeeze %dma_wait3A_63 : memref<1x80x128xf32, #tpu.memory_space<vmem>> -> memref<80x128xf32, #tpu.memory_space<vmem>>
    %dma_wait3A_65 = arith.constant 0 : i32
    %dma_wait3A_66 = tpu.memref_slice %arg4[%mul3A_2, %dma_wait3A_65] : memref<320000x128xf32, #tpu.memory_space<hbm>> -> memref<80x128xf32, #tpu.memory_space<hbm>>
    %dma_wait3A_67 = arith.constant 0 : i32
    %dma_wait3A_68 = tpu.memref_slice %arg4[%mul3A_2, %dma_wait3A_67] : memref<320000x128xf32, #tpu.memory_space<hbm>> -> memref<80x128xf32, #tpu.memory_space<hbm>>
    %dma_wait3A_69 = arith.constant 0 : i32
    %dma_wait3A_70 = arith.constant 0 : i32
    %dma_wait3A_71 = tpu.memref_slice %arg6[%dma_wait3A_60, %dma_wait3A_69, %dma_wait3A_70] : memref<10x80x128xf32, #tpu.memory_space<vmem>> -> memref<1x80x128xf32, #tpu.memory_space<vmem>>
    %dma_wait3A_72 = tpu.memref_squeeze %dma_wait3A_71 : memref<1x80x128xf32, #tpu.memory_space<vmem>> -> memref<80x128xf32, #tpu.memory_space<vmem>>
    tpu.wait_dma2 semaphore(%arg9 : memref<!tpu.dma_semaphore, #tpu.memory_space<semaphore_mem>>) src(%dma_wait3A_72 : memref<80x128xf32, #tpu.memory_space<vmem>>) dst(%dma_wait3A_68 : memref<80x128xf32, #tpu.memory_space<hbm>>)
    %dma_wait3A_73 = arith.constant 1 : i32
    %dma_wait3A_74 = arith.constant 0 : i32
    %dma_wait3A_75 = arith.constant 0 : i32
    %dma_wait3A_76 = tpu.memref_slice %arg6[%dma_wait3A_73, %dma_wait3A_74, %dma_wait3A_75] : memref<10x80x128xf32, #tpu.memory_space<vmem>> -> memref<1x80x128xf32, #tpu.memory_space<vmem>>
    %dma_wait3A_77 = tpu.memref_squeeze %dma_wait3A_76 : memref<1x80x128xf32, #tpu.memory_space<vmem>> -> memref<80x128xf32, #tpu.memory_space<vmem>>
    %dma_wait3A_78 = arith.constant 0 : i32
    %dma_wait3A_79 = tpu.memref_slice %arg4[%mul3A_2, %dma_wait3A_78] : memref<320000x128xf32, #tpu.memory_space<hbm>> -> memref<80x128xf32, #tpu.memory_space<hbm>>
    %dma_wait3A_80 = arith.constant 0 : i32
    %dma_wait3A_81 = tpu.memref_slice %arg4[%mul3A_2, %dma_wait3A_80] : memref<320000x128xf32, #tpu.memory_space<hbm>> -> memref<80x128xf32, #tpu.memory_space<hbm>>
    %dma_wait3A_82 = arith.constant 0 : i32
    %dma_wait3A_83 = arith.constant 0 : i32
    %dma_wait3A_84 = tpu.memref_slice %arg6[%dma_wait3A_73, %dma_wait3A_82, %dma_wait3A_83] : memref<10x80x128xf32, #tpu.memory_space<vmem>> -> memref<1x80x128xf32, #tpu.memory_space<vmem>>
    %dma_wait3A_85 = tpu.memref_squeeze %dma_wait3A_84 : memref<1x80x128xf32, #tpu.memory_space<vmem>> -> memref<80x128xf32, #tpu.memory_space<vmem>>
    tpu.wait_dma2 semaphore(%arg9 : memref<!tpu.dma_semaphore, #tpu.memory_space<semaphore_mem>>) src(%dma_wait3A_85 : memref<80x128xf32, #tpu.memory_space<vmem>>) dst(%dma_wait3A_81 : memref<80x128xf32, #tpu.memory_space<hbm>>)
    %dma_wait3A_86 = arith.constant 2 : i32
    %dma_wait3A_87 = arith.constant 0 : i32
    %dma_wait3A_88 = arith.constant 0 : i32
    %dma_wait3A_89 = tpu.memref_slice %arg6[%dma_wait3A_86, %dma_wait3A_87, %dma_wait3A_88] : memref<10x80x128xf32, #tpu.memory_space<vmem>> -> memref<1x80x128xf32, #tpu.memory_space<vmem>>
    %dma_wait3A_90 = tpu.memref_squeeze %dma_wait3A_89 : memref<1x80x128xf32, #tpu.memory_space<vmem>> -> memref<80x128xf32, #tpu.memory_space<vmem>>
    %dma_wait3A_91 = arith.constant 0 : i32
    %dma_wait3A_92 = tpu.memref_slice %arg4[%mul3A_2, %dma_wait3A_91] : memref<320000x128xf32, #tpu.memory_space<hbm>> -> memref<80x128xf32, #tpu.memory_space<hbm>>
    %dma_wait3A_93 = arith.constant 0 : i32
    %dma_wait3A_94 = tpu.memref_slice %arg4[%mul3A_2, %dma_wait3A_93] : memref<320000x128xf32, #tpu.memory_space<hbm>> -> memref<80x128xf32, #tpu.memory_space<hbm>>
    %dma_wait3A_95 = arith.constant 0 : i32
    %dma_wait3A_96 = arith.constant 0 : i32
    %dma_wait3A_97 = tpu.memref_slice %arg6[%dma_wait3A_86, %dma_wait3A_95, %dma_wait3A_96] : memref<10x80x128xf32, #tpu.memory_space<vmem>> -> memref<1x80x128xf32, #tpu.memory_space<vmem>>
    %dma_wait3A_98 = tpu.memref_squeeze %dma_wait3A_97 : memref<1x80x128xf32, #tpu.memory_space<vmem>> -> memref<80x128xf32, #tpu.memory_space<vmem>>
    tpu.wait_dma2 semaphore(%arg9 : memref<!tpu.dma_semaphore, #tpu.memory_space<semaphore_mem>>) src(%dma_wait3A_98 : memref<80x128xf32, #tpu.memory_space<vmem>>) dst(%dma_wait3A_94 : memref<80x128xf32, #tpu.memory_space<hbm>>)
    %dma_wait3A_99 = arith.constant 3 : i32
    %dma_wait3A_100 = arith.constant 0 : i32
    %dma_wait3A_101 = arith.constant 0 : i32
    %dma_wait3A_102 = tpu.memref_slice %arg6[%dma_wait3A_99, %dma_wait3A_100, %dma_wait3A_101] : memref<10x80x128xf32, #tpu.memory_space<vmem>> -> memref<1x80x128xf32, #tpu.memory_space<vmem>>
    %dma_wait3A_103 = tpu.memref_squeeze %dma_wait3A_102 : memref<1x80x128xf32, #tpu.memory_space<vmem>> -> memref<80x128xf32, #tpu.memory_space<vmem>>
    %dma_wait3A_104 = arith.constant 0 : i32
    %dma_wait3A_105 = tpu.memref_slice %arg4[%mul3A_2, %dma_wait3A_104] : memref<320000x128xf32, #tpu.memory_space<hbm>> -> memref<80x128xf32, #tpu.memory_space<hbm>>
    %dma_wait3A_106 = arith.constant 0 : i32
    %dma_wait3A_107 = tpu.memref_slice %arg4[%mul3A_2, %dma_wait3A_106] : memref<320000x128xf32, #tpu.memory_space<hbm>> -> memref<80x128xf32, #tpu.memory_space<hbm>>
    %dma_wait3A_108 = arith.constant 0 : i32
    %dma_wait3A_109 = arith.constant 0 : i32
    %dma_wait3A_110 = tpu.memref_slice %arg6[%dma_wait3A_99, %dma_wait3A_108, %dma_wait3A_109] : memref<10x80x128xf32, #tpu.memory_space<vmem>> -> memref<1x80x128xf32, #tpu.memory_space<vmem>>
    %dma_wait3A_111 = tpu.memref_squeeze %dma_wait3A_110 : memref<1x80x128xf32, #tpu.memory_space<vmem>> -> memref<80x128xf32, #tpu.memory_space<vmem>>
    tpu.wait_dma2 semaphore(%arg9 : memref<!tpu.dma_semaphore, #tpu.memory_space<semaphore_mem>>) src(%dma_wait3A_111 : memref<80x128xf32, #tpu.memory_space<vmem>>) dst(%dma_wait3A_107 : memref<80x128xf32, #tpu.memory_space<hbm>>)
    %dma_wait3A_112 = arith.constant 4 : i32
    %dma_wait3A_113 = arith.constant 0 : i32
    %dma_wait3A_114 = arith.constant 0 : i32
    %dma_wait3A_115 = tpu.memref_slice %arg6[%dma_wait3A_112, %dma_wait3A_113, %dma_wait3A_114] : memref<10x80x128xf32, #tpu.memory_space<vmem>> -> memref<1x80x128xf32, #tpu.memory_space<vmem>>
    %dma_wait3A_116 = tpu.memref_squeeze %dma_wait3A_115 : memref<1x80x128xf32, #tpu.memory_space<vmem>> -> memref<80x128xf32, #tpu.memory_space<vmem>>
    %dma_wait3A_117 = arith.constant 0 : i32
    %dma_wait3A_118 = tpu.memref_slice %arg4[%mul3A_2, %dma_wait3A_117] : memref<320000x128xf32, #tpu.memory_space<hbm>> -> memref<80x128xf32, #tpu.memory_space<hbm>>
    %dma_wait3A_119 = arith.constant 0 : i32
    %dma_wait3A_120 = tpu.memref_slice %arg4[%mul3A_2, %dma_wait3A_119] : memref<320000x128xf32, #tpu.memory_space<hbm>> -> memref<80x128xf32, #tpu.memory_space<hbm>>
    %dma_wait3A_121 = arith.constant 0 : i32
    %dma_wait3A_122 = arith.constant 0 : i32
    %dma_wait3A_123 = tpu.memref_slice %arg6[%dma_wait3A_112, %dma_wait3A_121, %dma_wait3A_122] : memref<10x80x128xf32, #tpu.memory_space<vmem>> -> memref<1x80x128xf32, #tpu.memory_space<vmem>>
    %dma_wait3A_124 = tpu.memref_squeeze %dma_wait3A_123 : memref<1x80x128xf32, #tpu.memory_space<vmem>> -> memref<80x128xf32, #tpu.memory_space<vmem>>
    tpu.wait_dma2 semaphore(%arg9 : memref<!tpu.dma_semaphore, #tpu.memory_space<semaphore_mem>>) src(%dma_wait3A_124 : memref<80x128xf32, #tpu.memory_space<vmem>>) dst(%dma_wait3A_120 : memref<80x128xf32, #tpu.memory_space<hbm>>)
    return
  }
}

#map = affine_map<(d0, d1) -> (0, 0)>
#map1 = affine_map<(d0, d1) -> (0, 0, 0)>
module attributes {stable_mosaic.version = 14 : i64} {
  func.func @body(%arg0: i32, %arg1: i32, %arg2: memref<320000x128xf32, #tpu.memory_space<hbm>>, %arg3: memref<32x125x80xi32, #tpu.memory_space<hbm>>, %arg4: memref<10000x128xf32, #tpu.memory_space<hbm>>, %arg5: memref<10000x128xf32, #tpu.memory_space<hbm>>, %arg6: memref<10000x128xf32, #tpu.memory_space<hbm>>, %arg7: memref<125x80xi32, #tpu.memory_space<vmem>>, %arg8: memref<2x80x128xf32, #tpu.memory_space<vmem>>, %arg9: memref<10000x128xf32, #tpu.memory_space<vmem_shared>>, %arg10: memref<!tpu.dma_semaphore, #tpu.memory_space<semaphore_mem>>, %arg11: memref<!tpu.dma_semaphore, #tpu.memory_space<semaphore_mem>>) attributes {dimension_semantics = [#tpu.dimension_semantics<core_parallel>, #tpu.dimension_semantics<subcore_parallel>], iteration_bounds = array<i64: 2, 16>, scalar_prefetch = 0 : i64, scratch_operands = 5 : i64, tpu.core_type = #tpu.core_type<sc_vector_subcore>, window_params = [{transform_indices = #map}, {transform_indices = #map1}, {transform_indices = #map}, {transform_indices = #map}, {transform_indices = #map}]} {
    %mul3A = arith.constant 2 : i32
    %mul3A_0 = arith.muli %arg1, %mul3A : i32
    %add3A = arith.addi %mul3A_0, %arg0 : i32
    %mul3A_1 = arith.constant 10000 : i32
    %mul3A_2 = arith.muli %add3A, %mul3A_1 : i32
    %dma_start3A = arith.constant 0 : i32
    %dma_start3A_3 = arith.constant 0 : i32
    %dma_start3A_4 = tpu.memref_slice %arg3[%add3A, %dma_start3A, %dma_start3A_3] : memref<32x125x80xi32, #tpu.memory_space<hbm>> -> memref<1x125x80xi32, #tpu.memory_space<hbm>>
    %dma_start3A_5 = tpu.memref_squeeze %dma_start3A_4 : memref<1x125x80xi32, #tpu.memory_space<hbm>> -> memref<125x80xi32, #tpu.memory_space<hbm>>
    %dma_start3A_6 = arith.constant 0 : i32
    %dma_start3A_7 = arith.constant 0 : i32
    %dma_start3A_8 = tpu.memref_slice %arg3[%add3A, %dma_start3A_6, %dma_start3A_7] : memref<32x125x80xi32, #tpu.memory_space<hbm>> -> memref<1x125x80xi32, #tpu.memory_space<hbm>>
    %dma_start3A_9 = tpu.memref_squeeze %dma_start3A_8 : memref<1x125x80xi32, #tpu.memory_space<hbm>> -> memref<125x80xi32, #tpu.memory_space<hbm>>
    tpu.enqueue_dma source(%dma_start3A_9 : memref<125x80xi32, #tpu.memory_space<hbm>>) target(%arg7 : memref<125x80xi32, #tpu.memory_space<vmem>>) target_semaphore(%arg10 : memref<!tpu.dma_semaphore, #tpu.memory_space<semaphore_mem>>)
    %dma_wait3A = arith.constant 0 : i32
    %dma_wait3A_10 = arith.constant 0 : i32
    %dma_wait3A_11 = tpu.memref_slice %arg3[%add3A, %dma_wait3A, %dma_wait3A_10] : memref<32x125x80xi32, #tpu.memory_space<hbm>> -> memref<1x125x80xi32, #tpu.memory_space<hbm>>
    %dma_wait3A_12 = tpu.memref_squeeze %dma_wait3A_11 : memref<1x125x80xi32, #tpu.memory_space<hbm>> -> memref<125x80xi32, #tpu.memory_space<hbm>>
    %dma_wait3A_13 = arith.constant 0 : i32
    %dma_wait3A_14 = arith.constant 0 : i32
    %dma_wait3A_15 = tpu.memref_slice %arg3[%add3A, %dma_wait3A_13, %dma_wait3A_14] : memref<32x125x80xi32, #tpu.memory_space<hbm>> -> memref<1x125x80xi32, #tpu.memory_space<hbm>>
    %dma_wait3A_16 = tpu.memref_squeeze %dma_wait3A_15 : memref<1x125x80xi32, #tpu.memory_space<hbm>> -> memref<125x80xi32, #tpu.memory_space<hbm>>
    tpu.wait_dma2 semaphore(%arg10 : memref<!tpu.dma_semaphore, #tpu.memory_space<semaphore_mem>>) src(%dma_wait3A_16 : memref<125x80xi32, #tpu.memory_space<hbm>>) dst(%arg7 : memref<125x80xi32, #tpu.memory_space<vmem>>)
    %eq3A = arith.constant 0 : i32
    %eq3A_17 = arith.cmpi eq, %arg1, %eq3A : i32
    %convert_element_type3A = arith.extui %eq3A_17 : i1 to i32
    %cond3A = arith.constant 0 : i32
    %cond3A_18 = arith.cmpi ne, %convert_element_type3A, %cond3A : i32
    scf.if %cond3A_18 {
      "tpu.region"() ({
        %run_scoped3A = tpu.sem_alloc : memref<!tpu.dma_semaphore, #tpu.memory_space<semaphore_mem>>
        tpu.enqueue_dma source(%arg4 : memref<10000x128xf32, #tpu.memory_space<hbm>>) target(%arg9 : memref<10000x128xf32, #tpu.memory_space<vmem_shared>>) target_semaphore(%run_scoped3A : memref<!tpu.dma_semaphore, #tpu.memory_space<semaphore_mem>>)
        tpu.wait_dma2 semaphore(%run_scoped3A : memref<!tpu.dma_semaphore, #tpu.memory_space<semaphore_mem>>) src(%arg4 : memref<10000x128xf32, #tpu.memory_space<hbm>>) dst(%arg9 : memref<10000x128xf32, #tpu.memory_space<vmem_shared>>)
        tpu.yield
      }) : () -> ()
    } else {
    }
    %barrier3A = arith.constant 0 : index
    tpu.barrier barrier_id(%barrier3A)
    %dma_start3A_19 = arith.constant 0 : i32
    %dma_start3A_20 = arith.constant 0 : i32
    %dma_start3A_21 = arith.constant 0 : i32
    %dma_start3A_22 = tpu.memref_slice %arg8[%dma_start3A_19, %dma_start3A_20, %dma_start3A_21] : memref<2x80x128xf32, #tpu.memory_space<vmem>> -> memref<1x80x128xf32, #tpu.memory_space<vmem>>
    %dma_start3A_23 = tpu.memref_squeeze %dma_start3A_22 : memref<1x80x128xf32, #tpu.memory_space<vmem>> -> memref<80x128xf32, #tpu.memory_space<vmem>>
    %dma_start3A_24 = arith.constant 0 : i32
    %dma_start3A_25 = tpu.memref_slice %arg2[%mul3A_2, %dma_start3A_24] : memref<320000x128xf32, #tpu.memory_space<hbm>> -> memref<80x128xf32, #tpu.memory_space<hbm>>
    %dma_start3A_26 = arith.constant 0 : i32
    %dma_start3A_27 = arith.constant 0 : i32
    %dma_start3A_28 = tpu.memref_slice %arg8[%dma_start3A_19, %dma_start3A_26, %dma_start3A_27] : memref<2x80x128xf32, #tpu.memory_space<vmem>> -> memref<1x80x128xf32, #tpu.memory_space<vmem>>
    %dma_start3A_29 = tpu.memref_squeeze %dma_start3A_28 : memref<1x80x128xf32, #tpu.memory_space<vmem>> -> memref<80x128xf32, #tpu.memory_space<vmem>>
    %dma_start3A_30 = arith.constant 0 : i32
    %dma_start3A_31 = tpu.memref_slice %arg2[%mul3A_2, %dma_start3A_30] : memref<320000x128xf32, #tpu.memory_space<hbm>> -> memref<80x128xf32, #tpu.memory_space<hbm>>
    tpu.enqueue_dma source(%dma_start3A_31 : memref<80x128xf32, #tpu.memory_space<hbm>>) target(%dma_start3A_29 : memref<80x128xf32, #tpu.memory_space<vmem>>) target_semaphore(%arg10 : memref<!tpu.dma_semaphore, #tpu.memory_space<semaphore_mem>>)
    %scan3A = arith.constant 0 : i32
    %scan3A_32 = arith.constant 0 : i32
    %scan3A_33 = arith.constant 125 : i32
    %scan3A_34 = arith.addi %scan3A_32, %scan3A_33 : i32
    %scan3A_35 = arith.constant 1 : i32
    scf.for %scan3A_65 = %scan3A_32 to %scan3A_34 step %scan3A_35  : i32 {
      %rem3A = arith.constant 2 : i32
      %rem3A_66 = arith.remsi %scan3A_65, %rem3A : i32
      %ge3A = arith.constant 1 : i32
      %ge3A_67 = arith.cmpi sge, %scan3A_65, %ge3A : i32
      %convert_element_type3A_68 = arith.extui %ge3A_67 : i1 to i32
      %cond3A_69 = arith.constant 0 : i32
      %cond3A_70 = arith.cmpi ne, %convert_element_type3A_68, %cond3A_69 : i32
      scf.if %cond3A_70 {
        %dma_wait3A_98 = arith.constant 0 : i32
        %dma_wait3A_99 = arith.constant 0 : i32
        %dma_wait3A_100 = arith.constant 0 : i32
        %dma_wait3A_101 = arith.constant 0 : i32
        %dma_wait3A_102 = tpu.memref_slice %arg8[%dma_wait3A_98, %dma_wait3A_100, %dma_wait3A_101] : memref<2x80x128xf32, #tpu.memory_space<vmem>> -> memref<1x80x128xf32, #tpu.memory_space<vmem>>
        %dma_wait3A_103 = tpu.memref_squeeze %dma_wait3A_102 : memref<1x80x128xf32, #tpu.memory_space<vmem>> -> memref<80x128xf32, #tpu.memory_space<vmem>>
        %dma_wait3A_104 = arith.constant 0 : i32
        %dma_wait3A_105 = tpu.memref_slice %arg7[%dma_wait3A_99, %dma_wait3A_104] : memref<125x80xi32, #tpu.memory_space<vmem>> -> memref<1x80xi32, #tpu.memory_space<vmem>>
        %dma_wait3A_106 = tpu.memref_squeeze %dma_wait3A_105 : memref<1x80xi32, #tpu.memory_space<vmem>> -> memref<80xi32, #tpu.memory_space<vmem>>
        %dma_wait3A_107 = arith.constant 0 : i32
        %dma_wait3A_108 = arith.constant 0 : i32
        %dma_wait3A_109 = tpu.memref_slice %arg9[%dma_wait3A_107, %dma_wait3A_108] : memref<10000x128xf32, #tpu.memory_space<vmem_shared>> -> memref<10000x128xf32, #tpu.memory_space<vmem_shared>>
        tpu.wait_indirect_dma semaphore(%arg11 : memref<!tpu.dma_semaphore, #tpu.memory_space<semaphore_mem>>) src(%dma_wait3A_103 : memref<80x128xf32, #tpu.memory_space<vmem>>) dst(%dma_wait3A_109 : memref<10000x128xf32, #tpu.memory_space<vmem_shared>>)
      } else {
      }
      %lt3A = arith.constant 124 : i32
      %lt3A_71 = arith.cmpi slt, %scan3A_65, %lt3A : i32
      %convert_element_type3A_72 = arith.extui %lt3A_71 : i1 to i32
      %cond3A_73 = arith.constant 0 : i32
      %cond3A_74 = arith.cmpi ne, %convert_element_type3A_72, %cond3A_73 : i32
      scf.if %cond3A_74 {
        %add3A_98 = arith.constant 1 : i32
        %add3A_99 = arith.addi %scan3A_65, %add3A_98 : i32
        %mul3A_100 = arith.constant 80 : i32
        %mul3A_101 = arith.muli %add3A_99, %mul3A_100 : i32
        %add3A_102 = arith.addi %mul3A_2, %mul3A_101 : i32
        %sub3A = arith.constant 1 : i32
        %sub3A_103 = arith.subi %sub3A, %rem3A_66 : i32
        %dma_start3A_104 = arith.constant 0 : i32
        %dma_start3A_105 = arith.constant 0 : i32
        %dma_start3A_106 = tpu.memref_slice %arg8[%sub3A_103, %dma_start3A_104, %dma_start3A_105] : memref<2x80x128xf32, #tpu.memory_space<vmem>> -> memref<1x80x128xf32, #tpu.memory_space<vmem>>
        %dma_start3A_107 = tpu.memref_squeeze %dma_start3A_106 : memref<1x80x128xf32, #tpu.memory_space<vmem>> -> memref<80x128xf32, #tpu.memory_space<vmem>>
        %dma_start3A_108 = arith.constant 0 : i32
        %dma_start3A_109 = tpu.memref_slice %arg2[%add3A_102, %dma_start3A_108] : memref<320000x128xf32, #tpu.memory_space<hbm>> -> memref<80x128xf32, #tpu.memory_space<hbm>>
        %dma_start3A_110 = arith.constant 0 : i32
        %dma_start3A_111 = arith.constant 0 : i32
        %dma_start3A_112 = tpu.memref_slice %arg8[%sub3A_103, %dma_start3A_110, %dma_start3A_111] : memref<2x80x128xf32, #tpu.memory_space<vmem>> -> memref<1x80x128xf32, #tpu.memory_space<vmem>>
        %dma_start3A_113 = tpu.memref_squeeze %dma_start3A_112 : memref<1x80x128xf32, #tpu.memory_space<vmem>> -> memref<80x128xf32, #tpu.memory_space<vmem>>
        %dma_start3A_114 = arith.constant 0 : i32
        %dma_start3A_115 = tpu.memref_slice %arg2[%add3A_102, %dma_start3A_114] : memref<320000x128xf32, #tpu.memory_space<hbm>> -> memref<80x128xf32, #tpu.memory_space<hbm>>
        tpu.enqueue_dma source(%dma_start3A_115 : memref<80x128xf32, #tpu.memory_space<hbm>>) target(%dma_start3A_113 : memref<80x128xf32, #tpu.memory_space<vmem>>) target_semaphore(%arg10 : memref<!tpu.dma_semaphore, #tpu.memory_space<semaphore_mem>>)
      } else {
      }
      %dma_wait3A_75 = arith.constant 0 : i32
      %dma_wait3A_76 = arith.constant 0 : i32
      %dma_wait3A_77 = arith.constant 0 : i32
      %dma_wait3A_78 = tpu.memref_slice %arg8[%dma_wait3A_75, %dma_wait3A_76, %dma_wait3A_77] : memref<2x80x128xf32, #tpu.memory_space<vmem>> -> memref<1x80x128xf32, #tpu.memory_space<vmem>>
      %dma_wait3A_79 = tpu.memref_squeeze %dma_wait3A_78 : memref<1x80x128xf32, #tpu.memory_space<vmem>> -> memref<80x128xf32, #tpu.memory_space<vmem>>
      %dma_wait3A_80 = arith.constant 0 : i32
      %dma_wait3A_81 = tpu.memref_slice %arg2[%mul3A_2, %dma_wait3A_80] : memref<320000x128xf32, #tpu.memory_space<hbm>> -> memref<80x128xf32, #tpu.memory_space<hbm>>
      %dma_wait3A_82 = arith.constant 0 : i32
      %dma_wait3A_83 = arith.constant 0 : i32
      %dma_wait3A_84 = tpu.memref_slice %arg8[%dma_wait3A_75, %dma_wait3A_82, %dma_wait3A_83] : memref<2x80x128xf32, #tpu.memory_space<vmem>> -> memref<1x80x128xf32, #tpu.memory_space<vmem>>
      %dma_wait3A_85 = tpu.memref_squeeze %dma_wait3A_84 : memref<1x80x128xf32, #tpu.memory_space<vmem>> -> memref<80x128xf32, #tpu.memory_space<vmem>>
      %dma_wait3A_86 = arith.constant 0 : i32
      %dma_wait3A_87 = tpu.memref_slice %arg2[%mul3A_2, %dma_wait3A_86] : memref<320000x128xf32, #tpu.memory_space<hbm>> -> memref<80x128xf32, #tpu.memory_space<hbm>>
      tpu.wait_dma2 semaphore(%arg10 : memref<!tpu.dma_semaphore, #tpu.memory_space<semaphore_mem>>) src(%dma_wait3A_87 : memref<80x128xf32, #tpu.memory_space<hbm>>) dst(%dma_wait3A_85 : memref<80x128xf32, #tpu.memory_space<vmem>>)
      %dma_start3A_88 = arith.constant 0 : i32
      %dma_start3A_89 = arith.constant 0 : i32
      %dma_start3A_90 = tpu.memref_slice %arg8[%rem3A_66, %dma_start3A_88, %dma_start3A_89] : memref<2x80x128xf32, #tpu.memory_space<vmem>> -> memref<1x80x128xf32, #tpu.memory_space<vmem>>
      %dma_start3A_91 = tpu.memref_squeeze %dma_start3A_90 : memref<1x80x128xf32, #tpu.memory_space<vmem>> -> memref<80x128xf32, #tpu.memory_space<vmem>>
      %dma_start3A_92 = arith.constant 0 : i32
      %dma_start3A_93 = tpu.memref_slice %arg7[%scan3A_65, %dma_start3A_92] : memref<125x80xi32, #tpu.memory_space<vmem>> -> memref<1x80xi32, #tpu.memory_space<vmem>>
      %dma_start3A_94 = tpu.memref_squeeze %dma_start3A_93 : memref<1x80xi32, #tpu.memory_space<vmem>> -> memref<80xi32, #tpu.memory_space<vmem>>
      %dma_start3A_95 = arith.constant 0 : i32
      %dma_start3A_96 = arith.constant 0 : i32
      %dma_start3A_97 = tpu.memref_slice %arg9[%dma_start3A_95, %dma_start3A_96] : memref<10000x128xf32, #tpu.memory_space<vmem_shared>> -> memref<10000x128xf32, #tpu.memory_space<vmem_shared>>
      tpu.enqueue_indirect_dma source(%dma_start3A_91 : memref<80x128xf32, #tpu.memory_space<vmem>>) target(%dma_start3A_97 : memref<10000x128xf32, #tpu.memory_space<vmem_shared>>) offsets(%dma_start3A_94 : memref<80xi32, #tpu.memory_space<vmem>>) semaphore(%arg11 : memref<!tpu.dma_semaphore, #tpu.memory_space<semaphore_mem>>) {add = true}
    }
    %scan3A_36 = arith.constant 125 : i32
    %dma_wait3A_37 = arith.constant 0 : i32
    %dma_wait3A_38 = arith.constant 0 : i32
    %dma_wait3A_39 = arith.constant 0 : i32
    %dma_wait3A_40 = arith.constant 0 : i32
    %dma_wait3A_41 = tpu.memref_slice %arg8[%dma_wait3A_37, %dma_wait3A_39, %dma_wait3A_40] : memref<2x80x128xf32, #tpu.memory_space<vmem>> -> memref<1x80x128xf32, #tpu.memory_space<vmem>>
    %dma_wait3A_42 = tpu.memref_squeeze %dma_wait3A_41 : memref<1x80x128xf32, #tpu.memory_space<vmem>> -> memref<80x128xf32, #tpu.memory_space<vmem>>
    %dma_wait3A_43 = arith.constant 0 : i32
    %dma_wait3A_44 = tpu.memref_slice %arg7[%dma_wait3A_38, %dma_wait3A_43] : memref<125x80xi32, #tpu.memory_space<vmem>> -> memref<1x80xi32, #tpu.memory_space<vmem>>
    %dma_wait3A_45 = tpu.memref_squeeze %dma_wait3A_44 : memref<1x80xi32, #tpu.memory_space<vmem>> -> memref<80xi32, #tpu.memory_space<vmem>>
    %dma_wait3A_46 = arith.constant 0 : i32
    %dma_wait3A_47 = arith.constant 0 : i32
    %dma_wait3A_48 = tpu.memref_slice %arg9[%dma_wait3A_46, %dma_wait3A_47] : memref<10000x128xf32, #tpu.memory_space<vmem_shared>> -> memref<10000x128xf32, #tpu.memory_space<vmem_shared>>
    tpu.wait_indirect_dma semaphore(%arg11 : memref<!tpu.dma_semaphore, #tpu.memory_space<semaphore_mem>>) src(%dma_wait3A_42 : memref<80x128xf32, #tpu.memory_space<vmem>>) dst(%dma_wait3A_48 : memref<10000x128xf32, #tpu.memory_space<vmem_shared>>)
    %barrier3A_49 = arith.constant 0 : index
    tpu.barrier barrier_id(%barrier3A_49)
    %eq3A_50 = arith.constant 0 : i32
    %eq3A_51 = arith.cmpi eq, %arg1, %eq3A_50 : i32
    %eq3A_52 = arith.constant 0 : i32
    %eq3A_53 = arith.cmpi eq, %arg0, %eq3A_52 : i32
    %and3A = arith.andi %eq3A_51, %eq3A_53 : i1
    %convert_element_type3A_54 = arith.extui %and3A : i1 to i32
    %cond3A_55 = arith.constant 0 : i32
    %cond3A_56 = arith.cmpi ne, %convert_element_type3A_54, %cond3A_55 : i32
    scf.if %cond3A_56 {
      "tpu.region"() ({
        %run_scoped3A = tpu.sem_alloc : memref<!tpu.dma_semaphore, #tpu.memory_space<semaphore_mem>>
        tpu.enqueue_dma source(%arg9 : memref<10000x128xf32, #tpu.memory_space<vmem_shared>>) target(%arg5 : memref<10000x128xf32, #tpu.memory_space<hbm>>) target_semaphore(%run_scoped3A : memref<!tpu.dma_semaphore, #tpu.memory_space<semaphore_mem>>)
        tpu.wait_dma2 semaphore(%run_scoped3A : memref<!tpu.dma_semaphore, #tpu.memory_space<semaphore_mem>>) src(%arg9 : memref<10000x128xf32, #tpu.memory_space<vmem_shared>>) dst(%arg5 : memref<10000x128xf32, #tpu.memory_space<hbm>>)
        tpu.yield
      }) : () -> ()
    } else {
    }
    %eq3A_57 = arith.constant 0 : i32
    %eq3A_58 = arith.cmpi eq, %arg1, %eq3A_57 : i32
    %eq3A_59 = arith.constant 1 : i32
    %eq3A_60 = arith.cmpi eq, %arg0, %eq3A_59 : i32
    %and3A_61 = arith.andi %eq3A_58, %eq3A_60 : i1
    %convert_element_type3A_62 = arith.extui %and3A_61 : i1 to i32
    %cond3A_63 = arith.constant 0 : i32
    %cond3A_64 = arith.cmpi ne, %convert_element_type3A_62, %cond3A_63 : i32
    scf.if %cond3A_64 {
      "tpu.region"() ({
        %run_scoped3A = tpu.sem_alloc : memref<!tpu.dma_semaphore, #tpu.memory_space<semaphore_mem>>
        tpu.enqueue_dma source(%arg9 : memref<10000x128xf32, #tpu.memory_space<vmem_shared>>) target(%arg6 : memref<10000x128xf32, #tpu.memory_space<hbm>>) target_semaphore(%run_scoped3A : memref<!tpu.dma_semaphore, #tpu.memory_space<semaphore_mem>>)
        tpu.wait_dma2 semaphore(%run_scoped3A : memref<!tpu.dma_semaphore, #tpu.memory_space<semaphore_mem>>) src(%arg9 : memref<10000x128xf32, #tpu.memory_space<vmem_shared>>) dst(%arg6 : memref<10000x128xf32, #tpu.memory_space<hbm>>)
        tpu.yield
      }) : () -> ()
    } else {
    }
    return
  }
}

module attributes {stable_mosaic.version = 14 : i64} {
  func.func @_edge_body(%arg0: i32, %arg1: memref<8000x128xf32, #tpu.memory_space<vmem>>, %arg2: memref<8000x128xf32, #tpu.memory_space<vmem>>, %arg3: memref<128x64xf32, #tpu.memory_space<vmem>>, %arg4: memref<1x64xf32, #tpu.memory_space<vmem>>, %arg5: memref<64x64xf32, #tpu.memory_space<vmem>>, %arg6: memref<64x4xf32, #tpu.memory_space<vmem>>, %arg7: memref<4x64xf32, #tpu.memory_space<vmem>>, %arg8: memref<4x64xf32, #tpu.memory_space<vmem>>, %arg9: memref<8000x128xf32, #tpu.memory_space<vmem>>) attributes {dimension_semantics = [#tpu.dimension_semantics<arbitrary>], iteration_bounds = array<i64: 40>, scalar_prefetch = 0 : i64, scratch_operands = 0 : i64, tpu.core_type = #tpu.core_type<tc>, window_params = [{transform_indices = @transform_0, window_bounds = array<i64: 8000, 128>}, {transform_indices = @transform_1, window_bounds = array<i64: 8000, 128>}, {pipeline_mode = #tpu.pipeline_mode<synchronous>, transform_indices = @transform_2, window_bounds = array<i64: 128, 64>}, {pipeline_mode = #tpu.pipeline_mode<synchronous>, transform_indices = @transform_3, window_bounds = array<i64: 1, 64>}, {pipeline_mode = #tpu.pipeline_mode<synchronous>, transform_indices = @transform_4, window_bounds = array<i64: 64, 64>}, {pipeline_mode = #tpu.pipeline_mode<synchronous>, transform_indices = @transform_5, window_bounds = array<i64: 64, 4>}, {pipeline_mode = #tpu.pipeline_mode<synchronous>, transform_indices = @transform_6, window_bounds = array<i64: 4, 64>}, {pipeline_mode = #tpu.pipeline_mode<synchronous>, transform_indices = @transform_7, window_bounds = array<i64: 4, 64>}, {transform_indices = @transform_8, window_bounds = array<i64: 8000, 128>}]} {
    %get3A = arith.constant 0 : index
    %get3A_0 = arith.constant 0 : index
    %get3A_1 = vector.load %arg1[%get3A, %get3A_0] : memref<8000x128xf32, #tpu.memory_space<vmem>>, vector<8000x128xf32>
    %get3A_2 = arith.constant 0 : index
    %get3A_3 = arith.constant 0 : index
    %get3A_4 = vector.load %arg2[%get3A_2, %get3A_3] : memref<8000x128xf32, #tpu.memory_space<vmem>>, vector<8000x128xf32>
    %add3A = arith.addf %get3A_1, %get3A_4 : vector<8000x128xf32>
    %max3A = arith.constant 0.000000e+00 : f32
    %max3A_5 = vector.broadcast %max3A : f32 to vector<8000x128xf32>
    %max3A_6 = arith.maximumf %add3A, %max3A_5 : vector<8000x128xf32>
    %get3A_7 = arith.constant 0 : index
    %get3A_8 = arith.constant 0 : index
    %get3A_9 = vector.load %arg3[%get3A_7, %get3A_8] : memref<128x64xf32, #tpu.memory_space<vmem>>, vector<128x64xf32>
    %dot_general3A = arith.constant dense<0.000000e+00> : vector<8000x64xf32>
    %dot_general3A_10 = tpu.matmul %max3A_6, %get3A_9, %dot_general3A {dimension_numbers = #tpu.dot_dimension_numbers<[1], [0], [0], [1], [0, 0, 1, 1], [], []>, transpose_lhs_hint = false} : vector<8000x128xf32>, vector<128x64xf32>, vector<8000x64xf32> -> vector<8000x64xf32>
    %get3A_11 = arith.constant 0 : index
    %get3A_12 = arith.constant 0 : index
    %get3A_13 = vector.load %arg4[%get3A_11, %get3A_12] : memref<1x64xf32, #tpu.memory_space<vmem>>, vector<1x64xf32>
    %add3A_14 = vector.broadcast %get3A_13 : vector<1x64xf32> to vector<8000x64xf32>
    %add3A_15 = arith.addf %dot_general3A_10, %add3A_14 : vector<8000x64xf32>
    %get3A_16 = arith.constant 0 : index
    %get3A_17 = arith.constant 0 : index
    %get3A_18 = vector.load %arg5[%get3A_16, %get3A_17] : memref<64x64xf32, #tpu.memory_space<vmem>>, vector<64x64xf32>
    %dot_general3A_19 = arith.constant dense<0.000000e+00> : vector<8000x64xf32>
    %dot_general3A_20 = tpu.matmul %add3A_15, %get3A_18, %dot_general3A_19 {dimension_numbers = #tpu.dot_dimension_numbers<[1], [0], [0], [1], [0, 0, 1, 1], [], []>, transpose_lhs_hint = false} : vector<8000x64xf32>, vector<64x64xf32>, vector<8000x64xf32> -> vector<8000x64xf32>
    %get3A_21 = arith.constant 0 : index
    %get3A_22 = arith.constant 0 : index
    %get3A_23 = vector.load %arg6[%get3A_21, %get3A_22] : memref<64x4xf32, #tpu.memory_space<vmem>>, vector<64x4xf32>
    %dot_general3A_24 = arith.constant dense<0.000000e+00> : vector<8000x4xf32>
    %dot_general3A_25 = tpu.matmul %add3A_15, %get3A_23, %dot_general3A_24 {dimension_numbers = #tpu.dot_dimension_numbers<[1], [0], [0], [1], [0, 0, 1, 1], [], []>, transpose_lhs_hint = false} : vector<8000x64xf32>, vector<64x4xf32>, vector<8000x4xf32> -> vector<8000x4xf32>
    %jit3A = arith.constant -6.000000e+01 : f32
    %jit3A_26 = arith.constant 6.000000e+01 : f32
    %max3A_27 = vector.broadcast %jit3A : f32 to vector<8000x4xf32>
    %max3A_28 = arith.maximumf %max3A_27, %dot_general3A_25 : vector<8000x4xf32>
    %min3A = vector.broadcast %jit3A_26 : f32 to vector<8000x4xf32>
    %min3A_29 = arith.minimumf %min3A, %max3A_28 : vector<8000x4xf32>
    %exp3A = math.exp %min3A_29 : vector<8000x4xf32>
    %get3A_30 = arith.constant 0 : index
    %get3A_31 = arith.constant 0 : index
    %get3A_32 = vector.load %arg7[%get3A_30, %get3A_31] : memref<4x64xf32, #tpu.memory_space<vmem>>, vector<4x64xf32>
    %dot_general3A_33 = arith.constant dense<0.000000e+00> : vector<8000x64xf32>
    %dot_general3A_34 = tpu.matmul %exp3A, %get3A_32, %dot_general3A_33 {dimension_numbers = #tpu.dot_dimension_numbers<[1], [0], [0], [1], [0, 0, 1, 1], [], []>, transpose_lhs_hint = false} : vector<8000x4xf32>, vector<4x64xf32>, vector<8000x64xf32> -> vector<8000x64xf32>
    %mul3A = arith.mulf %dot_general3A_20, %dot_general3A_34 : vector<8000x64xf32>
    %get3A_35 = arith.constant 0 : index
    %get3A_36 = arith.constant 0 : index
    %get3A_37 = vector.load %arg8[%get3A_35, %get3A_36] : memref<4x64xf32, #tpu.memory_space<vmem>>, vector<4x64xf32>
    %dot_general3A_38 = arith.constant dense<0.000000e+00> : vector<8000x64xf32>
    %dot_general3A_39 = tpu.matmul %exp3A, %get3A_37, %dot_general3A_38 {dimension_numbers = #tpu.dot_dimension_numbers<[1], [0], [0], [1], [0, 0, 1, 1], [], []>, transpose_lhs_hint = false} : vector<8000x4xf32>, vector<4x64xf32>, vector<8000x64xf32> -> vector<8000x64xf32>
    %concatenate3A = tpu.concatenate %mul3A, %dot_general3A_39 in 1 : vector<8000x64xf32>, vector<8000x64xf32> -> vector<8000x128xf32>
    %swap3A = arith.constant 0 : index
    %swap3A_40 = arith.constant 0 : index
    %swap3A_41 = vector.load %arg9[%swap3A, %swap3A_40] : memref<8000x128xf32, #tpu.memory_space<vmem>>, vector<8000x128xf32>
    tpu.vector_store %arg9[%swap3A, %swap3A_40], %concatenate3A {strides = array<i32>} : memref<8000x128xf32, #tpu.memory_space<vmem>>, vector<8000x128xf32>,
    return
  }
  func.func @transform_0(%arg0: i32) -> (i32, i32) {
    %c0_i32 = arith.constant 0 : i32
    %c0_i32_0 = arith.constant 0 : i32
    return %arg0, %c0_i32 : i32, i32
  }
  func.func @transform_1(%arg0: i32) -> (i32, i32) {
    %c0_i32 = arith.constant 0 : i32
    %c0_i32_0 = arith.constant 0 : i32
    return %arg0, %c0_i32 : i32, i32
  }
  func.func @transform_2(%arg0: i32) -> (i32, i32) {
    %c0_i32 = arith.constant 0 : i32
    %c0_i32_0 = arith.constant 0 : i32
    %c0_i32_1 = arith.constant 0 : i32
    return %c0_i32, %c0_i32_0 : i32, i32
  }
  func.func @transform_3(%arg0: i32) -> (i32, i32) {
    %c0_i32 = arith.constant 0 : i32
    %c0_i32_0 = arith.constant 0 : i32
    %c0_i32_1 = arith.constant 0 : i32
    return %c0_i32, %c0_i32_0 : i32, i32
  }
  func.func @transform_4(%arg0: i32) -> (i32, i32) {
    %c0_i32 = arith.constant 0 : i32
    %c0_i32_0 = arith.constant 0 : i32
    %c0_i32_1 = arith.constant 0 : i32
    return %c0_i32, %c0_i32_0 : i32, i32
  }
  func.func @transform_5(%arg0: i32) -> (i32, i32) {
    %c0_i32 = arith.constant 0 : i32
    %c0_i32_0 = arith.constant 0 : i32
    %c0_i32_1 = arith.constant 0 : i32
    return %c0_i32, %c0_i32_0 : i32, i32
  }
  func.func @transform_6(%arg0: i32) -> (i32, i32) {
    %c0_i32 = arith.constant 0 : i32
    %c0_i32_0 = arith.constant 0 : i32
    %c0_i32_1 = arith.constant 0 : i32
    return %c0_i32, %c0_i32_0 : i32, i32
  }
  func.func @transform_7(%arg0: i32) -> (i32, i32) {
    %c0_i32 = arith.constant 0 : i32
    %c0_i32_0 = arith.constant 0 : i32
    %c0_i32_1 = arith.constant 0 : i32
    return %c0_i32, %c0_i32_0 : i32, i32
  }
  func.func @transform_8(%arg0: i32) -> (i32, i32) {
    %c0_i32 = arith.constant 0 : i32
    %c0_i32_0 = arith.constant 0 : i32
    return %arg0, %c0_i32 : i32, i32
  }
}

module attributes {stable_mosaic.version = 14 : i64} {
  func.func @body(%arg0: i32, %arg1: memref<2000x128xf32, #tpu.memory_space<vmem>>, %arg2: memref<2000x128xf32, #tpu.memory_space<vmem>>, %arg3: memref<128x64xf32, #tpu.memory_space<vmem>>, %arg4: memref<64x64xf32, #tpu.memory_space<vmem>>, %arg5: memref<64x4xf32, #tpu.memory_space<vmem>>, %arg6: memref<64x256xf32, #tpu.memory_space<vmem>>, %arg7: memref<4x256xf32, #tpu.memory_space<vmem>>, %arg8: memref<256x64xf32, #tpu.memory_space<vmem>>, %arg9: memref<2000x64xf32, #tpu.memory_space<vmem>>) attributes {dimension_semantics = [#tpu.dimension_semantics<arbitrary>], iteration_bounds = array<i64: 5>, scalar_prefetch = 0 : i64, scratch_operands = 0 : i64, tpu.core_type = #tpu.core_type<tc>, window_params = [{transform_indices = @transform_0, window_bounds = array<i64: 2000, 128>}, {transform_indices = @transform_1, window_bounds = array<i64: 2000, 128>}, {pipeline_mode = #tpu.pipeline_mode<synchronous>, transform_indices = @transform_2, window_bounds = array<i64: 128, 64>}, {pipeline_mode = #tpu.pipeline_mode<synchronous>, transform_indices = @transform_3, window_bounds = array<i64: 64, 64>}, {pipeline_mode = #tpu.pipeline_mode<synchronous>, transform_indices = @transform_4, window_bounds = array<i64: 64, 4>}, {pipeline_mode = #tpu.pipeline_mode<synchronous>, transform_indices = @transform_5, window_bounds = array<i64: 64, 256>}, {pipeline_mode = #tpu.pipeline_mode<synchronous>, transform_indices = @transform_6, window_bounds = array<i64: 4, 256>}, {pipeline_mode = #tpu.pipeline_mode<synchronous>, transform_indices = @transform_7, window_bounds = array<i64: 256, 64>}, {transform_indices = @transform_8, window_bounds = array<i64: 2000, 64>}]} {
    %get3A = arith.constant 0 : index
    %get3A_0 = arith.constant 0 : index
    %get3A_1 = vector.load %arg1[%get3A, %get3A_0] : memref<2000x128xf32, #tpu.memory_space<vmem>>, vector<2000x128xf32>
    %get3A_2 = arith.constant 0 : index
    %get3A_3 = arith.constant 0 : index
    %get3A_4 = vector.load %arg2[%get3A_2, %get3A_3] : memref<2000x128xf32, #tpu.memory_space<vmem>>, vector<2000x128xf32>
    %add3A = arith.addf %get3A_1, %get3A_4 : vector<2000x128xf32>
    %get3A_5 = arith.constant 0 : index
    %get3A_6 = arith.constant 0 : index
    %get3A_7 = vector.load %arg3[%get3A_5, %get3A_6] : memref<128x64xf32, #tpu.memory_space<vmem>>, vector<128x64xf32>
    %dot_general3A = arith.constant dense<0.000000e+00> : vector<2000x64xf32>
    %dot_general3A_8 = tpu.matmul %add3A, %get3A_7, %dot_general3A {dimension_numbers = #tpu.dot_dimension_numbers<[1], [0], [0], [1], [0, 0, 1, 1], [], []>, transpose_lhs_hint = false} : vector<2000x128xf32>, vector<128x64xf32>, vector<2000x64xf32> -> vector<2000x64xf32>
    %slice3A = vector.extract_strided_slice %add3A {offsets = [0, 0], sizes = [2000, 64], strides = [1, 1]} : vector<2000x128xf32> to vector<2000x64xf32>
    %add3A_9 = arith.constant 9.99999971E-10 : f32
    %add3A_10 = vector.broadcast %add3A_9 : f32 to vector<2000x64xf32>
    %add3A_11 = arith.addf %dot_general3A_8, %add3A_10 : vector<2000x64xf32>
    %div3A = arith.divf %slice3A, %add3A_11 : vector<2000x64xf32>
    %get3A_12 = arith.constant 0 : index
    %get3A_13 = arith.constant 0 : index
    %get3A_14 = vector.load %arg4[%get3A_12, %get3A_13] : memref<64x64xf32, #tpu.memory_space<vmem>>, vector<64x64xf32>
    %dot_general3A_15 = arith.constant dense<0.000000e+00> : vector<2000x64xf32>
    %dot_general3A_16 = tpu.matmul %div3A, %get3A_14, %dot_general3A_15 {dimension_numbers = #tpu.dot_dimension_numbers<[1], [0], [0], [1], [0, 0, 1, 1], [], []>, transpose_lhs_hint = false} : vector<2000x64xf32>, vector<64x64xf32>, vector<2000x64xf32> -> vector<2000x64xf32>
    %get3A_17 = arith.constant 0 : index
    %get3A_18 = arith.constant 0 : index
    %get3A_19 = vector.load %arg5[%get3A_17, %get3A_18] : memref<64x4xf32, #tpu.memory_space<vmem>>, vector<64x4xf32>
    %dot_general3A_20 = arith.constant dense<0.000000e+00> : vector<2000x4xf32>
    %dot_general3A_21 = tpu.matmul %dot_general3A_16, %get3A_19, %dot_general3A_20 {dimension_numbers = #tpu.dot_dimension_numbers<[1], [0], [0], [1], [0, 0, 1, 1], [], []>, transpose_lhs_hint = false} : vector<2000x64xf32>, vector<64x4xf32>, vector<2000x4xf32> -> vector<2000x4xf32>
    %reduce_max3A = arith.constant dense<0xFF800000> : vector<2000xf32>
    %reduce_max3A_22 = vector.multi_reduction <maximumf>, %dot_general3A_21, %reduce_max3A [1] : vector<2000x4xf32> to vector<2000xf32>
    %broadcast_in_dim3A = vector.shape_cast %reduce_max3A_22 : vector<2000xf32> to vector<2000x1xf32>
    %sub3A = vector.broadcast %broadcast_in_dim3A : vector<2000x1xf32> to vector<2000x4xf32>
    %sub3A_23 = arith.subf %dot_general3A_21, %sub3A : vector<2000x4xf32>
    %exp3A = math.exp %sub3A_23 : vector<2000x4xf32>
    %reduce_sum3A = arith.constant dense<0.000000e+00> : vector<2000xf32>
    %reduce_sum3A_24 = vector.multi_reduction <add>, %exp3A, %reduce_sum3A [1] : vector<2000x4xf32> to vector<2000xf32>
    %broadcast_in_dim3A_25 = vector.shape_cast %reduce_sum3A_24 : vector<2000xf32> to vector<2000x1xf32>
    %div3A_26 = vector.broadcast %broadcast_in_dim3A_25 : vector<2000x1xf32> to vector<2000x4xf32>
    %div3A_27 = arith.divf %exp3A, %div3A_26 : vector<2000x4xf32>
    %get3A_28 = arith.constant 0 : index
    %get3A_29 = arith.constant 0 : index
    %get3A_30 = vector.load %arg6[%get3A_28, %get3A_29] : memref<64x256xf32, #tpu.memory_space<vmem>>, vector<64x256xf32>
    %dot_general3A_31 = arith.constant dense<0.000000e+00> : vector<2000x256xf32>
    %dot_general3A_32 = tpu.matmul %dot_general3A_16, %get3A_30, %dot_general3A_31 {dimension_numbers = #tpu.dot_dimension_numbers<[1], [0], [0], [1], [0, 0, 1, 1], [], []>, transpose_lhs_hint = false} : vector<2000x64xf32>, vector<64x256xf32>, vector<2000x256xf32> -> vector<2000x256xf32>
    %get3A_33 = arith.constant 0 : index
    %get3A_34 = arith.constant 0 : index
    %get3A_35 = vector.load %arg7[%get3A_33, %get3A_34] : memref<4x256xf32, #tpu.memory_space<vmem>>, vector<4x256xf32>
    %dot_general3A_36 = arith.constant dense<0.000000e+00> : vector<2000x256xf32>
    %dot_general3A_37 = tpu.matmul %div3A_27, %get3A_35, %dot_general3A_36 {dimension_numbers = #tpu.dot_dimension_numbers<[1], [0], [0], [1], [0, 0, 1, 1], [], []>, transpose_lhs_hint = false} : vector<2000x4xf32>, vector<4x256xf32>, vector<2000x256xf32> -> vector<2000x256xf32>
    %mul3A = arith.mulf %dot_general3A_37, %dot_general3A_32 : vector<2000x256xf32>
    %get3A_38 = arith.constant 0 : index
    %get3A_39 = arith.constant 0 : index
    %get3A_40 = vector.load %arg8[%get3A_38, %get3A_39] : memref<256x64xf32, #tpu.memory_space<vmem>>, vector<256x64xf32>
    %dot_general3A_41 = arith.constant dense<0.000000e+00> : vector<2000x64xf32>
    %dot_general3A_42 = tpu.matmul %mul3A, %get3A_40, %dot_general3A_41 {dimension_numbers = #tpu.dot_dimension_numbers<[1], [0], [0], [1], [0, 0, 1, 1], [], []>, transpose_lhs_hint = false} : vector<2000x256xf32>, vector<256x64xf32>, vector<2000x64xf32> -> vector<2000x64xf32>
    %neg3A = arith.constant 0.000000e+00 : f32
    %neg3A_43 = vector.broadcast %neg3A : f32 to vector<2000x64xf32>
    %neg3A_44 = arith.subf %neg3A_43, %dot_general3A_42 : vector<2000x64xf32>
    %exp3A_45 = math.exp %neg3A_44 : vector<2000x64xf32>
    %add3A_46 = arith.constant 1.000000e+00 : f32
    %add3A_47 = vector.broadcast %add3A_46 : f32 to vector<2000x64xf32>
    %add3A_48 = arith.addf %add3A_47, %exp3A_45 : vector<2000x64xf32>
    %div3A_49 = arith.constant 1.000000e+00 : f32
    %div3A_50 = vector.broadcast %div3A_49 : f32 to vector<2000x64xf32>
    %div3A_51 = arith.divf %div3A_50, %add3A_48 : vector<2000x64xf32>
    %swap3A = arith.constant 0 : index
    %swap3A_52 = arith.constant 0 : index
    %swap3A_53 = vector.load %arg9[%swap3A, %swap3A_52] : memref<2000x64xf32, #tpu.memory_space<vmem>>, vector<2000x64xf32>
    tpu.vector_store %arg9[%swap3A, %swap3A_52], %div3A_51 {strides = array<i32>} : memref<2000x64xf32, #tpu.memory_space<vmem>>, vector<2000x64xf32>,
    return
  }
  func.func @transform_0(%arg0: i32) -> (i32, i32) {
    %c0_i32 = arith.constant 0 : i32
    %c0_i32_0 = arith.constant 0 : i32
    return %arg0, %c0_i32 : i32, i32
  }
  func.func @transform_1(%arg0: i32) -> (i32, i32) {
    %c0_i32 = arith.constant 0 : i32
    %c0_i32_0 = arith.constant 0 : i32
    return %arg0, %c0_i32 : i32, i32
  }
  func.func @transform_2(%arg0: i32) -> (i32, i32) {
    %c0_i32 = arith.constant 0 : i32
    %c0_i32_0 = arith.constant 0 : i32
    %c0_i32_1 = arith.constant 0 : i32
    return %c0_i32, %c0_i32_0 : i32, i32
  }
  func.func @transform_3(%arg0: i32) -> (i32, i32) {
    %c0_i32 = arith.constant 0 : i32
    %c0_i32_0 = arith.constant 0 : i32
    %c0_i32_1 = arith.constant 0 : i32
    return %c0_i32, %c0_i32_0 : i32, i32
  }
  func.func @transform_4(%arg0: i32) -> (i32, i32) {
    %c0_i32 = arith.constant 0 : i32
    %c0_i32_0 = arith.constant 0 : i32
    %c0_i32_1 = arith.constant 0 : i32
    return %c0_i32, %c0_i32_0 : i32, i32
  }
  func.func @transform_5(%arg0: i32) -> (i32, i32) {
    %c0_i32 = arith.constant 0 : i32
    %c0_i32_0 = arith.constant 0 : i32
    %c0_i32_1 = arith.constant 0 : i32
    return %c0_i32, %c0_i32_0 : i32, i32
  }
  func.func @transform_6(%arg0: i32) -> (i32, i32) {
    %c0_i32 = arith.constant 0 : i32
    %c0_i32_0 = arith.constant 0 : i32
    %c0_i32_1 = arith.constant 0 : i32
    return %c0_i32, %c0_i32_0 : i32, i32
  }
  func.func @transform_7(%arg0: i32) -> (i32, i32) {
    %c0_i32 = arith.constant 0 : i32
    %c0_i32_0 = arith.constant 0 : i32
    %c0_i32_1 = arith.constant 0 : i32
    return %c0_i32, %c0_i32_0 : i32, i32
  }
  func.func @transform_8(%arg0: i32) -> (i32, i32) {
    %c0_i32 = arith.constant 0 : i32
    %c0_i32_0 = arith.constant 0 : i32
    return %arg0, %c0_i32 : i32, i32
  }
}

</mosaic_0001>

<sc_bundles>
// kernel: kernel.6.cloned.1.call-start
scs
__scs_entry_jumppad:
0x0: {  	(pc) =	sbr.rel $0x88, $3  }
0x1: {  	(tag) =	ssettag $0x0;
	lr =	simm.s32 $0x1  }
0x2: {  	[smem:$0x3F96] =	sst lr;
	_ =	strace $0xD0000000  }
0x3: {  	_ = 	snop  }
0x4: {  	_ = 	snop  }
0x5: {  	_ = 	snop  }
0x6: {  	_ = 	snop  }
0x7: {  	_ = 	snop  }
__scs_overlays_trampoline_lowered:
0x8: {  	[smem:$0x3FA5] =	sst s0  }
0x9: {  	[smem:$0x3FA6] =	sst s1  }
0xa: {  	[smem:$0x3FA7] =	sst s2  }
0xb: {  	[smem:$0x3FA8] =	sst s3  }
0xc: {  	[smem:$0x3FA9] =	sst s4  }
0xd: {  	[smem:$0x3FAA] =	sst s5  }
0xe: {  	[smem:$0x3FAB] =	sst s6  }
0xf: {  	[smem:$0x3FAC] =	sst s7  }
0x10: {  	[smem:$0x3FAD] =	sst s8  }
0x11: {  	[smem:$0x3FAE] =	sst s9;
	s0 =	simm.s32 @!p0 $0x0  }
0x12: {  	s1 =	sld [smem:$0x3F94];
	s0 =	simm.s32 @p0 $0x1  }
0x13: {  	[smem:$0x3FAF] =	sst s0;
	s0 =	simm.s32 @!p1 $0x0  }
0x14: {  	s2 =	sld [smem:$0x3F93];
	s0 =	simm.s32 @p1 $0x1  }
0x15: {  	[smem:$0x3FB0] =	sst s0;
	s0 =	simm.s32 @!p2 $0x0  }
0x16: {  	s3 =	sld [smem:$0x3FDB];
	s0 =	simm.s32 @p2 $0x1  }
0x17: {  	s4 =	simm.s32 $0x1BF5;
	[smem:$0x3FB2] =	sst s0  }
0x18: {  	s0 =	sld [smem:$0x3F95];
	_ =	swait.ge [sflag:s4], $0x0  }
0x19: {  	s7 =	sld [smem:$0x3F96]  }
0x1a: {  	s8 =	sadd.s32 $0xFFFFE003, lr  }
0x1b: {  	s9 =	sadd.s32 $0xFFFFFEF7, lr;
	s5 =	simm.s32 $0xFFFFFFFF;
	p2 =	slt.u32 s8, $0xFFFFF086  }
0x1c: {  	p1 =	slt.u32 s9, $0xF7A;
	s5 =	simm.s32 @!p2 $0x0  }
0x1d: {  	s5 =	simm.s32 @p1 $0x1;
	p0 =	seq.s32 s7, s2  }
0x1e: {  	s7 =	smul.u32 @!p0 $0xF7A, s2;
	p2 =	seq.s32 @!p0 s5, $0x0  }
0x1f: {  	s9 =	smul.u32 $0xF7A, s1;
	s8 =	simm.s32 @!p0 $0x1BF5;
	p2 =	por !p2, p0  }
0x20: {  	[sflag:s8] =	ssyncset.s32 @!p0 $0xFFFFF086;
	s6 =	sadd.s32 @!p0 s3, s7;
	s7 =	simm.s32 @!p0 $0x108  }
0x21: {  	s3 =	sadd.s32 s3, s9;
	s6 =	sadd.s32 @!p0 $0x88, s6;
	s7 =	simm.s32 @p2 $0x1082  }
0x22: {  	[simem:s7], [sflag:s8] =	dma.local @!p0 [hbm:s6], $0xF7A  }
0x23: {  	s9 =	sor.u32 $0xD0000000, s2;
	s6 =	simm.s32 $0x108;
	_ =	swait.ge @!p0 [sflag:s8], $0x0  }
0x24: {  	s3 =	sadd.s32 $0x88, s3;
	s6 =	simm.s32 @!p1 $0x1082;
	[sflag:s4] =	ssyncset.s32 $0xFFFFF086  }
0x25: {  	[simem:s6], [sflag:s4] =	dma.local [hbm:s3], $0xF7A  }
0x26: {  	[smem:$0x3F96] =	sst s1;
	(tag) =	ssettag s2;
	_ =	strace s9  }
0x27: {  	s1 =	sld [smem:$0x3FA6]  }
0x28: {  	s2 =	sld [smem:$0x3FA7]  }
0x29: {  	s4 =	sld [smem:$0x3FA9]  }
0x2a: {  	p0 =	seq.s32 s5, $0x0;
	s5 =	sld [smem:$0x3FAA]  }
0x2b: {  	s6 =	sld [smem:$0x3FAB]  }
0x2c: {  	s7 =	sld [smem:$0x3FAC]  }
0x2d: {  	s3 =	simm.s32 $0x108;
	s8 =	sld [smem:$0x3FAD]  }
0x2e: {  	s3 =	simm.s32 @!p0 $0x1082;
	s9 =	sld [smem:$0x3FAE]  }
0x2f: {  	lr =	sadd.s32 s0, s3;
	s0 =	sld [smem:$0x3FA5]  }
0x30: {  	s3 =	sld [smem:$0x3FA8]  }
0x31: {  	[smem:$0x3FB1] =	sst s10  }
0x32: {  	s10 =	sld [smem:$0x3FAF];
	_ =	sdelay $0x3  }
0x33: {  	p0 =	seq.s32 s10, $0x1;
	s10 =	sld [smem:$0x3FB1];
	_ =	sdelay $0x3  }
0x34: {  	[smem:$0x3FB1] =	sst s10  }
0x35: {  	s10 =	sld [smem:$0x3FB0];
	_ =	sdelay $0x3  }
0x36: {  	p1 =	seq.s32 s10, $0x1;
	s10 =	sld [smem:$0x3FB1];
	_ =	sdelay $0x3  }
0x37: {  	[smem:$0x3FB1] =	sst s10  }
0x38: {  	s10 =	sld [smem:$0x3FB2]  }
0x39: {  	_ = 	snop;
	(pc) =	sbr.ind lr, $3  }
0x3a: {  	_ = 	snop  }
0x3b: {  	_ = 	snop  }
0x3c: {  	p2 =	seq.s32 s10, $0x1;
	s10 =	sld [smem:$0x3FB1]  }
0x3d: {  	_ =	shalt  }
0x3e: {  	_ =	shalt  }
0x3f: {  	_ =	shalt  }
0x40: {  	_ =	shalt  }
0x41: {  	_ =	shalt  }
0x42: {  	_ =	shalt  }
0x43: {  	_ =	shalt  }
0x44: {  	_ =	shalt  }
0x45: {  	_ =	shalt  }
0x46: {  	_ =	shalt  }
0x47: {  	_ =	shalt  }
0x48: {  	_ =	shalt  }
0x49: {  	_ =	shalt  }
0x4a: {  	_ =	shalt  }
0x4b: {  	_ =	shalt  }
0x4c: {  	_ =	shalt  }
0x4d: {  	_ =	shalt  }
0x4e: {  	_ =	shalt  }
0x4f: {  	_ =	shalt  }
0x50: {  	_ =	shalt  }
0x51: {  	_ =	shalt  }
0x52: {  	_ =	shalt  }
0x53: {  	_ =	shalt  }
0x54: {  	_ =	shalt  }
0x55: {  	_ =	shalt  }
0x56: {  	_ =	shalt  }
0x57: {  	_ =	shalt  }
0x58: {  	_ =	shalt  }
0x59: {  	_ =	shalt  }
0x5a: {  	_ =	shalt  }
0x5b: {  	_ =	shalt  }
0x5c: {  	_ =	shalt  }
0x5d: {  	_ =	shalt  }
0x5e: {  	_ =	shalt  }
0x5f: {  	_ =	shalt  }
0x60: {  	_ =	shalt  }
0x61: {  	_ =	shalt  }
0x62: {  	_ =	shalt  }
0x63: {  	_ =	shalt  }
0x64: {  	_ =	shalt  }
0x65: {  	_ =	shalt  }
0x66: {  	_ =	shalt  }
0x67: {  	_ =	shalt  }
0x68: {  	_ =	shalt  }
0x69: {  	_ =	shalt  }
0x6a: {  	_ =	shalt  }
0x6b: {  	_ =	shalt  }
0x6c: {  	_ =	shalt  }
0x6d: {  	_ =	shalt  }
0x6e: {  	_ =	shalt  }
0x6f: {  	_ =	shalt  }
0x70: {  	_ =	shalt  }
0x71: {  	_ =	shalt  }
0x72: {  	_ =	shalt  }
0x73: {  	_ =	shalt  }
0x74: {  	_ =	shalt  }
0x75: {  	_ =	shalt  }
0x76: {  	_ =	shalt  }
0x77: {  	_ =	shalt  }
0x78: {  	_ =	shalt  }
0x79: {  	_ =	shalt  }
0x7a: {  	_ =	shalt  }
0x7b: {  	_ =	shalt  }
0x7c: {  	_ =	shalt  }
0x7d: {  	_ =	shalt  }
0x7e: {  	_ =	shalt  }
0x7f: {  	_ =	shalt  }
0x80: {  	_ =	shalt  }
0x81: {  	_ =	shalt  }
0x82: {  	_ =	shalt  }
0x83: {  	_ =	shalt  }
0x84: {  	_ =	shalt  }
0x85: {  	_ =	shalt  }
0x86: {  	_ =	shalt  }
0x87: {  	_ =	shalt  }
.Lfunc_end0:
.L_simem_size_0:
called_computation_lowered:
.L_overlay_start_0:
0x88: {  	s2 =	sld [smem:$0x3FD9]  }
0x89: {  	s3 =	sld [smem:$0x3FFE];
	_ =	sdelay $0x1  }
0x8a: {  	s1 =	srdreg.scid  }
0x8b: {  	s0 =	sand.u32 $0x1, s1  }
0x8c: {  	s17 =	sshll.u32 s0, $0xA;
	s2 =	sadd.s32 s3, s2  }
0x8d: {  	s2 =	sadd.s32 s2, s17  }
0x8e: {  	[smem:$0x3FBD] =	sst s2  }
0x8f: {  	_ = 	snop  }
0x90: {  	s2 =	sld [smem:$0x3FC9];
	(tm) =	ssettm $0x1  }
0x91: {  	s18 =	sld [smem:$0x3FFB];
	_ =	sdelay $0x3  }
0x92: {  	_ =	strace s18  }
0x93: {  	s3 =	sld [smem:$0x3FFC];
	_ =	sdelay $0x3  }
0x94: {  	_ =	strace s3  }
0x95: {  	s3 =	sld [smem:$0x3FFD];
	_ =	sdelay $0x3  }
0x96: {  	_ =	strace s3  }
0x97: {  	_ =	strace $0x8FFFFFFF  }
0x98: {  	s19 =	sld [smem:$0x3FDB];
	_ =	sdelay $0x1  }
0x99: {  	s4 =	simm.s32 $_scs_section_size  }
0x9a: {  	s5 =	simm.s32 $_size__tile_overlayer_lowered;
	s6 =	simm.s32 $_tile_overlayer_lowered  }
0x9b: {  	s22 =	simm.s32 $0x1BFF;
	s21 =	sshll.u32 s6, $0x1;
	s3 =	sadd.s32 s4, s19  }
0x9c: {  	s7 =	simm.s32 $0x0;
	s20 =	sshll.u32 s5, $0x1;
	s5 =	sadd.s32 s21, s3  }
0x9d: {  	[timem:s7], [sflag:s22] =	dma.local [hbm:s5], s20  }
0x9e: {  	_ =	swait.ge [sflag:s22], s20  }
0x9f: {  	s4 =	ssub.s32 $0x0, s20;
	[sflag:s22] =	ssyncset.done $0x0  }
0xa0: {  	[sflag:s22] =	ssyncadd.s32 s4;
	_ =	sdelay $0x1  }
0xa1: {  	s23 =	simm.s32 $0x1B8B  }
0xa2: {  	_ =	swait.ge [sflag:s23], $0x1  }
0xa3: {  	[sflag:s23] =	ssyncset.done $0x0  }
0xa4: {  	s25 =	simm.s32 $0x1B8E;
	s24 =	sld [smem:$0x3FFE];
	[sflag:s23] =	ssyncadd.s32 $0xFFFFFFFF  }
0xa5: {  	s26 =	simm.s32 $execute0_lowered;
	[smem:$0x3FD2] =	sst s25  }
0xa6: {  	s5 =	sshll.u32 s26, $0x1;
	_ =	strace $0x80000046;
	[dreg:$0x1] =	wrdreg $0xFFFFFFFF  }
0xa7: {  	s28 =	simm.s32 $_size_execute0_lowered;
	s3 =	sadd.s32 s3, s5;
	[dreg:$0x0] =	wrdreg $0x0  }
0xa8: {  	s5 =	sshll.u32 s28, $0x1;
	[dreg:$0x2] =	wrdreg s3  }
0xa9: {  	[dreg:$0x3] =	wrdreg s5  }
0xaa: {  	[dreg:$0x4] =	wrdreg $0xC0  }
0xab: {  	_ =	task [dreg:s7], $0x5FFFF  }
0xac: {  	[dreg:$0x1] =	wrdreg $0xFFFFFFFF  }
0xad: {  	[dreg:$0x0] =	wrdreg $0x60  }
0xae: {  	[dreg:$0x2] =	wrdreg s2  }
0xaf: {  	[dreg:$0x3] =	wrdreg s24  }
0xb0: {  	[dreg:$0x4] =	wrdreg $0x9  }
0xb1: {  	_ =	task.clear_ibuf [dreg:s7], $0x5FFFF;
	_ =	strace $0x90000046  }
0xb2: {  	s29 =	simm.s32 $0x9;
	_ =	strace $0x80000048  }
0xb3: {  	_ =	swait.ge [sflag:s29], $0x1  }
0xb4: {  	[sflag:s29] =	ssyncadd.s32 $0xFFFFFFFF  }
0xb5: {  	_ =	strace $0x90000048  }
0xb6: {  	_ =	sfence  }
0xb7: {  	s30 =	sld [smem:$0x0];
	_ =	sdelay $0x2  }
0xb8: {  	s31 =	sshll.u32 s1, $0xD;
	s1 =	sshrl.u32 s1, $0x2  }
0xb9: {  	s3 =	sand.u32 $0x4000, s31;
	s1 =	sadd.s32 s1, s30  }
0xba: {  	s0 =	sor.u32 s3, s0;
	s1 =	sshll.u32 s1, $0x11  }
0xbb: {  	s0 =	sor.u32 s1, s0  }
0xbc: {  	s0 =	sadd.s32 $0x8F2B, s0  }
0xbd: {  	[sflag:s0] =	ssyncadd.remote.s32 $0x1  }
0xbe: {  	_ =	sfence.sel $0xFFFF  }
0xbf: {  	[dreg:$0x0] =	wrdreg $0xFFFFFFFF;
	(pc) =	sbr.abs _section_cstart, $3  }
0xc0: {  	[dreg:$0x1] =	wrdreg $0xFFFFFFFF  }
0xc1: {  	_ =	task.clear_ibuf [dreg:s7], $0x2FFFF;
	_ =	strace $0x9FFFFFFF  }
0xc2: {  	(tm) =	ssettm $0x7FFFFFFF  }
0xc3: {  	_ =	shalt  }
tec
execute0_lowered:
.L_overlay_start_1:
0x0: {  	(tag) =	ssettag $0x1  }
0x1: {  	s2 =	rddreg [dreg:$0x0];
	s1 =	srdreg.scid  }
0x2: {  	s0 =	stileid.u32;
	s4 =	rddreg [dreg:$0x1]  }
0x3: {  	s3 =	simm.s32 $0x0;
	s9 =	simm.s32 $0x2780;
	s10 =	simm.s32 $0x4F80  }
0x4: {  	s11 =	simm.s32 $0xA0;
	s12 =	simm.s32 $0x7780;
	s13 =	simm.s32 $0xF0  }
0x5: {  	s14 =	simm.s32 $0x9F80;
	s15 =	simm.s32 $0x140;
	s16 =	simm.s32 $0xC780  }
0x6: {  	s17 =	simm.s32 $0x2;
	s18 =	simm.s32 $0x3;
	s5 =	sand.u32 $0x1, s1  }
0x7: {  	s6 =	sshll.u32 s0, $0x1;
	s1 =	rddreg [dreg:$0x2];
	s7 =	smul.u32 $0x4E200, s0  }
0x8: {  	s6 =	sor.u32 s5, s6;
	s8 =	ssub.s32 $0x2, s5;
	s5 =	smul.u32 $0x27100, s5  }
0x9: {  	s19 =	simm.s32 $0x0;
	[smem:$0x7FF] =	sst s3;
	s6 =	smul.u32 $0x2710, s6  }
0xa: {  	_ =	strace $0x80000047;
	s7 =	sadd.s32 s7, s4;
	s30 =	sshrl.u32 s8, $0x1  }
0xb: {  	s8 =	ssub.s32 s8, s30;
	s31 =	sadd.s32 s5, s7;
	s6 =	sshrl.u32 s6, $0x3  }
0xc: {  	s7 =	simm.s32 $0x1;
	s5 =	smax.u32 s8, $0x1;
	s6 =	sadd.s32 s6, s4  }
0xd: {  	s8 =	simm.s32 $0x50;
	s4 =	sadd.s32 $0x1800, s6;
	s6 =	sadd.s32 $0xB600, s31  }
.LBB2_1:
0xe: {  	[tilespmem:s3], [sflag:$0x1] =	stream.linear.gather [hbm4b:s4+s3], $0x2710, $0x38;
	[tilespmem:$0x1B780] =	vst v63  }
0xf: {  	_ =	swait.ge [sflag:s7], $0x2710  }
0x10: {  	[sflag:s7] =	ssyncset.done $0x0  }
0x11: {  	[sflag:s7] =	ssyncadd.s32 $0xFFFFD8F0  }
0x12: {  	[tilespmem:s9], [sflag:$0x2] =	stream.indirect.gather [hbm4b:s2+s8], $0x80, s3, s8, $0xb8;
	[tilespmem:$0x1B780] =	vst v63  }
0x13: {  	_ = 	snop  }
0x14: {  	[tilespmem:s10], [sflag:$0x2] =	stream.indirect.gather [hbm4b:s2+s8], $0x80, s8, s8, $0xb8;
	[tilespmem:$0x1B780] =	vst v63  }
0x15: {  	_ = 	snop  }
0x16: {  	[tilespmem:s12], [sflag:$0x2] =	stream.indirect.gather [hbm4b:s2+s8], $0x80, s11, s8, $0xb8;
	[tilespmem:$0x1B780] =	vst v63  }
0x17: {  	_ = 	snop  }
0x18: {  	[tilespmem:s14], [sflag:$0x2] =	stream.indirect.gather [hbm4b:s2+s8], $0x80, s13, s8, $0xb8;
	[tilespmem:$0x1B780] =	vst v63  }
0x19: {  	s20 =	simm.s32 $0x2D0;
	s21 =	simm.s32 $0x0;
	s22 =	simm.s32 $0x0  }
0x1a: {  	[tilespmem:s16], [sflag:$0x2] =	stream.indirect.gather [hbm4b:s2+s8], $0x80, s15, s8, $0xb8;
	[tilespmem:$0x1B780] =	vst v63  }
.LBB2_2:
0x1b: {  	p0 =	seq.s32 s21, $0x0  }
0x1c: {  	s24 =	simm.s32 @!p0 $0x3  }
0x1d: {  	_ =	swait.ge @!p0 [sflag:s24], $0x2800  }
0x1e: {  	[sflag:s24] =	ssyncset.done @!p0 $0x0  }
0x1f: {  	[sflag:s24] =	ssyncadd.s32 @!p0 $0xFFFFD800  }
0x20: {  	_ =	swait.ge @!p0 [sflag:s24], $0x2800  }
0x21: {  	[sflag:s24] =	ssyncset.done @!p0 $0x0  }
0x22: {  	[sflag:s24] =	ssyncadd.s32 @!p0 $0xFFFFD800  }
0x23: {  	_ =	swait.ge @!p0 [sflag:s24], $0x2800  }
0x24: {  	[sflag:s24] =	ssyncset.done @!p0 $0x0  }
0x25: {  	[sflag:s24] =	ssyncadd.s32 @!p0 $0xFFFFD800  }
0x26: {  	_ =	swait.ge @!p0 [sflag:s24], $0x2800  }
0x27: {  	[sflag:s24] =	ssyncset.done @!p0 $0x0  }
0x28: {  	[sflag:s24] =	ssyncadd.s32 @!p0 $0xFFFFD800  }
0x29: {  	p1 =	seq.s32 @!p0 s21, $0x25800;
	_ =	swait.ge @!p0 [sflag:s24], $0x2800  }
0x2a: {  	s23 =	sand.u32 $0x1, s22;
	p1 =	por p0, !p1;
	[sflag:s24] =	ssyncset.done @!p0 $0x0  }
0x2b: {  	[sflag:s24] =	ssyncadd.s32 @!p0 $0xFFFFD800;
	s24 =	sxor.u32 @p1 $0x1, s23  }
0x2c: {  	s24 =	smul.u32 @p1 $0x32000, s24;
	_ =	sdelay $0x1  }
0x2d: {  	s24 =	sshrl.u32 @p1 s24, $0x2  }
0x2e: {  	s26 =	sadd.s32 @p1 $0xFFFFFEC0, s20;
	s25 =	sadd.s32 @p1 $0x2780, s24  }
0x2f: {  	[tilespmem:s25], [sflag:$0x2] =	stream.indirect.gather @p1 [hbm4b:s2+s8], $0x80, s26, s8, $0xb8;
	[tilespmem:$0x1B780] =	vst v63  }
0x30: {  	s25 =	sadd.s32 @p1 $0x4F80, s24;
	s26 =	sadd.s32 @p1 $0xFFFFFF10, s20  }
0x31: {  	[tilespmem:s25], [sflag:$0x2] =	stream.indirect.gather @p1 [hbm4b:s2+s8], $0x80, s26, s8, $0xb8;
	[tilespmem:$0x1B780] =	vst v63  }
0x32: {  	s25 =	sadd.s32 @p1 $0x7780, s24;
	s26 =	sadd.s32 @p1 $0xFFFFFF60, s20  }
0x33: {  	[tilespmem:s25], [sflag:$0x2] =	stream.indirect.gather @p1 [hbm4b:s2+s8], $0x80, s26, s8, $0xb8;
	[tilespmem:$0x1B780] =	vst v63  }
0x34: {  	s25 =	sadd.s32 @p1 $0x9F80, s24;
	s26 =	sadd.s32 @p1 $0xFFFFFFB0, s20  }
0x35: {  	[tilespmem:s25], [sflag:$0x2] =	stream.indirect.gather @p1 [hbm4b:s2+s8], $0x80, s26, s8, $0xb8;
	[tilespmem:$0x1B780] =	vst v63  }
0x36: {  	s24 =	sadd.s32 @p1 $0xC780, s24  }
0x37: {  	[tilespmem:s24], [sflag:$0x2] =	stream.indirect.gather @p1 [hbm4b:s2+s8], $0x80, s20, s8, $0xb8;
	[tilespmem:$0x1B780] =	vst v63  }
0x38: {  	_ =	swait.ge [sflag:s17], $0x2800  }
0x39: {  	[sflag:s17] =	ssyncset.done $0x0  }
0x3a: {  	[sflag:s17] =	ssyncadd.s32 $0xFFFFD800  }
0x3b: {  	_ =	swait.ge [sflag:s17], $0x2800  }
0x3c: {  	[sflag:s17] =	ssyncset.done $0x0  }
0x3d: {  	[sflag:s17] =	ssyncadd.s32 $0xFFFFD800  }
0x3e: {  	_ =	swait.ge [sflag:s17], $0x2800  }
0x3f: {  	[sflag:s17] =	ssyncset.done $0x0  }
0x40: {  	[sflag:s17] =	ssyncadd.s32 $0xFFFFD800  }
0x41: {  	_ =	swait.ge [sflag:s17], $0x2800  }
0x42: {  	[sflag:s17] =	ssyncset.done $0x0  }
0x43: {  	s23 =	smul.u32 $0x32000, s23;
	[sflag:s17] =	ssyncadd.s32 $0xFFFFD800  }
0x44: {  	_ =	swait.ge [sflag:s17], $0x2800  }
0x45: {  	s23 =	sshrl.u32 s23, $0x2;
	[sflag:s17] =	ssyncset.done $0x0  }
0x46: {  	s29 =	sadd.s32 $0x2780, s23;
	s25 =	sadd.s32 s21, s6;
	[sflag:s17] =	ssyncadd.s32 $0xFFFFD800  }
0x47: {  	[hbm4b:s25+s3] =	stream.linear.scatter [tilespmem:s29], [sflag:$0x3], $0x2800, $0x38;
	[tilespmem:$0x1B780] =	vst v63  }
0x48: {  	s30 =	sadd.s32 $0x4F80, s23;
	s21 =	sadd.s32 $0x1900, s21;
	s31 =	sadd.s32 $0x500, s25  }
0x49: {  	[hbm4b:s31+s3] =	stream.linear.scatter [tilespmem:s30], [sflag:$0x3], $0x2800, $0x38;
	[tilespmem:$0x1B780] =	vst v63  }
0x4a: {  	s26 =	sadd.s32 $0x7780, s23;
	s28 =	sadd.s32 $0xA00, s25;
	p0 =	sne.s32 s21, $0x27100  }
0x4b: {  	[hbm4b:s28+s3] =	stream.linear.scatter [tilespmem:s26], [sflag:$0x3], $0x2800, $0x38;
	[tilespmem:$0x1B780] =	vst v63  }
.Ltmp0:
0x4c: {  	_ = 	snop;
	(pc) =	sbr.rel @p0 .LBB2_2-.Ltmp0, $4  }
0x4d: {  	s22 =	sadd.s32 $0x1, s22;
	s29 =	sadd.s32 $0x9F80, s23;
	s30 =	sadd.s32 $0xF00, s25  }
0x4e: {  	[hbm4b:s30+s3] =	stream.linear.scatter [tilespmem:s29], [sflag:$0x3], $0x2800, $0x38;
	[tilespmem:$0x1B780] =	vst v63  }
0x4f: {  	s20 =	sadd.s32 $0x190, s20;
	s23 =	sadd.s32 $0xC780, s23;
	s31 =	sadd.s32 $0x1400, s25  }
0x50: {  	[hbm4b:s31+s3] =	stream.linear.scatter [tilespmem:s23], [sflag:$0x3], $0x2800, $0x38;
	[tilespmem:$0x1B780] =	vst v63  }
0x51: {  	_ =	swait.ge [sflag:s18], $0x2800  }
0x52: {  	[sflag:s18] =	ssyncset.done $0x0  }
0x53: {  	[sflag:s18] =	ssyncadd.s32 $0xFFFFD800  }
0x54: {  	_ =	swait.ge [sflag:s18], $0x2800  }
0x55: {  	[sflag:s18] =	ssyncset.done $0x0  }
0x56: {  	[sflag:s18] =	ssyncadd.s32 $0xFFFFD800  }
0x57: {  	_ =	swait.ge [sflag:s18], $0x2800  }
0x58: {  	[sflag:s18] =	ssyncset.done $0x0  }
0x59: {  	s19 =	sadd.s32 $0x1, s19;
	[sflag:s18] =	ssyncadd.s32 $0xFFFFD800  }
0x5a: {  	p0 =	sne.s32 s19, s5;
	_ =	swait.ge [sflag:s18], $0x2800  }
.Ltmp1:
0x5b: {  	[sflag:s18] =	ssyncset.done $0x0;
	(pc) =	sbr.rel @p0 .LBB2_1-.Ltmp1, $4  }
0x5c: {  	[sflag:s18] =	ssyncadd.s32 $0xFFFFD800  }
0x5d: {  	_ =	swait.ge [sflag:s18], $0x2800  }
0x5e: {  	[sflag:s18] =	ssyncset.done $0x0  }
0x5f: {  	[sflag:s18] =	ssyncadd.s32 $0xFFFFD800  }
0x60: {  	_ =	sfence.sel $0x180000  }
0x61: {  	[bflag:$0x0] =	sbarrier.arrive $0xFFFF  }
0x62: {  	p0 =	sne.s32 s0, $0x0;
	_ =	strace $0x90000047  }
0x63: {  	s0 =	sadd.s32 @!p0 $0x100000, s1;
	[bflag:$0x2] =	sbarrier.arrive $0xFFFF  }
0x64: {  	[sflag:s0] =	ssyncadd.tile.s32 @!p0 $0x1;
	_ =	shalt  }
.Lfunc_end2:
_tile_overlayer_lowered:
.L_overlay_start_2:
0x65: {  	(tag) =	ssettag $0x2  }
0x66: {  	s0 =	rddreg [dreg:$0x0];
	s2 =	stileid.u32  }
0x67: {  	s1 =	rddreg [dreg:$0x1];
	p0 =	sne.s32 s2, $0x0  }
0x68: {  	s3 =	rddreg [dreg:$0x2];
	[bflag:$0x3] =	sbarrier.arrive $0xFFFF;
	s2 =	simm.s32 @!p0 $0x1C04  }
0x69: {  	[timem:s3], [sflag:s2] =	dma.local @!p0 [hbm:s0], s1  }
0x6a: {  	s0 =	simm.s32 @!p0 $0x4  }
0x6b: {  	_ =	swait.ge @!p0 [sflag:s0], s1  }
0x6c: {  	s1 =	ssub.s32 @!p0 $0x0, s1;
	[sflag:s0] =	ssyncset.done @!p0 $0x0  }
0x6d: {  	[sflag:s0] =	ssyncadd.s32 @!p0 s1  }
0x6e: {  	[bflag:$0x3] =	sbarrier.arrive $0xFFFF  }
0x6f: {  	_ =	shalt  }

// kernel: kernel.9.cloned.1.call-start
scs
__scs_entry_jumppad:
0x0: {  	(pc) =	sbr.rel $0x88, $3  }
0x1: {  	(tag) =	ssettag $0x0;
	lr =	simm.s32 $0x1  }
0x2: {  	[smem:$0x3F96] =	sst lr;
	_ =	strace $0xD0000000  }
0x3: {  	_ = 	snop  }
0x4: {  	_ = 	snop  }
0x5: {  	_ = 	snop  }
0x6: {  	_ = 	snop  }
0x7: {  	_ = 	snop  }
__scs_overlays_trampoline_lowered:
0x8: {  	[smem:$0x3FA5] =	sst s0  }
0x9: {  	[smem:$0x3FA6] =	sst s1  }
0xa: {  	[smem:$0x3FA7] =	sst s2  }
0xb: {  	[smem:$0x3FA8] =	sst s3  }
0xc: {  	[smem:$0x3FA9] =	sst s4  }
0xd: {  	[smem:$0x3FAA] =	sst s5  }
0xe: {  	[smem:$0x3FAB] =	sst s6  }
0xf: {  	[smem:$0x3FAC] =	sst s7  }
0x10: {  	[smem:$0x3FAD] =	sst s8  }
0x11: {  	[smem:$0x3FAE] =	sst s9;
	s0 =	simm.s32 @!p0 $0x0  }
0x12: {  	s1 =	sld [smem:$0x3F94];
	s0 =	simm.s32 @p0 $0x1  }
0x13: {  	[smem:$0x3FAF] =	sst s0;
	s0 =	simm.s32 @!p1 $0x0  }
0x14: {  	s2 =	sld [smem:$0x3F93];
	s0 =	simm.s32 @p1 $0x1  }
0x15: {  	[smem:$0x3FB0] =	sst s0;
	s0 =	simm.s32 @!p2 $0x0  }
0x16: {  	s3 =	sld [smem:$0x3FDB];
	s0 =	simm.s32 @p2 $0x1  }
0x17: {  	s4 =	simm.s32 $0x1BF5;
	[smem:$0x3FB2] =	sst s0  }
0x18: {  	s0 =	sld [smem:$0x3F95];
	_ =	swait.ge [sflag:s4], $0x0  }
0x19: {  	s7 =	sld [smem:$0x3F96]  }
0x1a: {  	s8 =	sadd.s32 $0xFFFFE003, lr  }
0x1b: {  	s9 =	sadd.s32 $0xFFFFFEF7, lr;
	s5 =	simm.s32 $0xFFFFFFFF;
	p2 =	slt.u32 s8, $0xFFFFF086  }
0x1c: {  	p1 =	slt.u32 s9, $0xF7A;
	s5 =	simm.s32 @!p2 $0x0  }
0x1d: {  	s5 =	simm.s32 @p1 $0x1;
	p0 =	seq.s32 s7, s2  }
0x1e: {  	s7 =	smul.u32 @!p0 $0xF7A, s2;
	p2 =	seq.s32 @!p0 s5, $0x0  }
0x1f: {  	s9 =	smul.u32 $0xF7A, s1;
	s8 =	simm.s32 @!p0 $0x1BF5;
	p2 =	por !p2, p0  }
0x20: {  	[sflag:s8] =	ssyncset.s32 @!p0 $0xFFFFF086;
	s6 =	sadd.s32 @!p0 s3, s7;
	s7 =	simm.s32 @!p0 $0x108  }
0x21: {  	s3 =	sadd.s32 s3, s9;
	s6 =	sadd.s32 @!p0 $0x88, s6;
	s7 =	simm.s32 @p2 $0x1082  }
0x22: {  	[simem:s7], [sflag:s8] =	dma.local @!p0 [hbm:s6], $0xF7A  }
0x23: {  	s9 =	sor.u32 $0xD0000000, s2;
	s6 =	simm.s32 $0x108;
	_ =	swait.ge @!p0 [sflag:s8], $0x0  }
0x24: {  	s3 =	sadd.s32 $0x88, s3;
	s6 =	simm.s32 @!p1 $0x1082;
	[sflag:s4] =	ssyncset.s32 $0xFFFFF086  }
0x25: {  	[simem:s6], [sflag:s4] =	dma.local [hbm:s3], $0xF7A  }
0x26: {  	[smem:$0x3F96] =	sst s1;
	(tag) =	ssettag s2;
	_ =	strace s9  }
0x27: {  	s1 =	sld [smem:$0x3FA6]  }
0x28: {  	s2 =	sld [smem:$0x3FA7]  }
0x29: {  	s4 =	sld [smem:$0x3FA9]  }
0x2a: {  	p0 =	seq.s32 s5, $0x0;
	s5 =	sld [smem:$0x3FAA]  }
0x2b: {  	s6 =	sld [smem:$0x3FAB]  }
0x2c: {  	s7 =	sld [smem:$0x3FAC]  }
0x2d: {  	s3 =	simm.s32 $0x108;
	s8 =	sld [smem:$0x3FAD]  }
0x2e: {  	s3 =	simm.s32 @!p0 $0x1082;
	s9 =	sld [smem:$0x3FAE]  }
0x2f: {  	lr =	sadd.s32 s0, s3;
	s0 =	sld [smem:$0x3FA5]  }
0x30: {  	s3 =	sld [smem:$0x3FA8]  }
0x31: {  	[smem:$0x3FB1] =	sst s10  }
0x32: {  	s10 =	sld [smem:$0x3FAF];
	_ =	sdelay $0x3  }
0x33: {  	p0 =	seq.s32 s10, $0x1;
	s10 =	sld [smem:$0x3FB1];
	_ =	sdelay $0x3  }
0x34: {  	[smem:$0x3FB1] =	sst s10  }
0x35: {  	s10 =	sld [smem:$0x3FB0];
	_ =	sdelay $0x3  }
0x36: {  	p1 =	seq.s32 s10, $0x1;
	s10 =	sld [smem:$0x3FB1];
	_ =	sdelay $0x3  }
0x37: {  	[smem:$0x3FB1] =	sst s10  }
0x38: {  	s10 =	sld [smem:$0x3FB2]  }
0x39: {  	_ = 	snop;
	(pc) =	sbr.ind lr, $3  }
0x3a: {  	_ = 	snop  }
0x3b: {  	_ = 	snop  }
0x3c: {  	p2 =	seq.s32 s10, $0x1;
	s10 =	sld [smem:$0x3FB1]  }
0x3d: {  	_ =	shalt  }
0x3e: {  	_ =	shalt  }
0x3f: {  	_ =	shalt  }
0x40: {  	_ =	shalt  }
0x41: {  	_ =	shalt  }
0x42: {  	_ =	shalt  }
0x43: {  	_ =	shalt  }
0x44: {  	_ =	shalt  }
0x45: {  	_ =	shalt  }
0x46: {  	_ =	shalt  }
0x47: {  	_ =	shalt  }
0x48: {  	_ =	shalt  }
0x49: {  	_ =	shalt  }
0x4a: {  	_ =	shalt  }
0x4b: {  	_ =	shalt  }
0x4c: {  	_ =	shalt  }
0x4d: {  	_ =	shalt  }
0x4e: {  	_ =	shalt  }
0x4f: {  	_ =	shalt  }
0x50: {  	_ =	shalt  }
0x51: {  	_ =	shalt  }
0x52: {  	_ =	shalt  }
0x53: {  	_ =	shalt  }
0x54: {  	_ =	shalt  }
0x55: {  	_ =	shalt  }
0x56: {  	_ =	shalt  }
0x57: {  	_ =	shalt  }
0x58: {  	_ =	shalt  }
0x59: {  	_ =	shalt  }
0x5a: {  	_ =	shalt  }
0x5b: {  	_ =	shalt  }
0x5c: {  	_ =	shalt  }
0x5d: {  	_ =	shalt  }
0x5e: {  	_ =	shalt  }
0x5f: {  	_ =	shalt  }
0x60: {  	_ =	shalt  }
0x61: {  	_ =	shalt  }
0x62: {  	_ =	shalt  }
0x63: {  	_ =	shalt  }
0x64: {  	_ =	shalt  }
0x65: {  	_ =	shalt  }
0x66: {  	_ =	shalt  }
0x67: {  	_ =	shalt  }
0x68: {  	_ =	shalt  }
0x69: {  	_ =	shalt  }
0x6a: {  	_ =	shalt  }
0x6b: {  	_ =	shalt  }
0x6c: {  	_ =	shalt  }
0x6d: {  	_ =	shalt  }
0x6e: {  	_ =	shalt  }
0x6f: {  	_ =	shalt  }
0x70: {  	_ =	shalt  }
0x71: {  	_ =	shalt  }
0x72: {  	_ =	shalt  }
0x73: {  	_ =	shalt  }
0x74: {  	_ =	shalt  }
0x75: {  	_ =	shalt  }
0x76: {  	_ =	shalt  }
0x77: {  	_ =	shalt  }
0x78: {  	_ =	shalt  }
0x79: {  	_ =	shalt  }
0x7a: {  	_ =	shalt  }
0x7b: {  	_ =	shalt  }
0x7c: {  	_ =	shalt  }
0x7d: {  	_ =	shalt  }
0x7e: {  	_ =	shalt  }
0x7f: {  	_ =	shalt  }
0x80: {  	_ =	shalt  }
0x81: {  	_ =	shalt  }
0x82: {  	_ =	shalt  }
0x83: {  	_ =	shalt  }
0x84: {  	_ =	shalt  }
0x85: {  	_ =	shalt  }
0x86: {  	_ =	shalt  }
0x87: {  	_ =	shalt  }
.Lfunc_end0:
.L_simem_size_0:
called_computation.1_lowered:
.L_overlay_start_0:
0x88: {  	s2 =	sld [smem:$0x3FD9]  }
0x89: {  	s3 =	sld [smem:$0x3FFE];
	_ =	sdelay $0x1  }
0x8a: {  	s1 =	srdreg.scid  }
0x8b: {  	s0 =	sand.u32 $0x1, s1  }
0x8c: {  	s17 =	sshll.u32 s0, $0xA;
	s2 =	sadd.s32 s3, s2  }
0x8d: {  	s2 =	sadd.s32 s2, s17  }
0x8e: {  	[smem:$0x3FBD] =	sst s2  }
0x8f: {  	_ = 	snop  }
0x90: {  	s2 =	sld [smem:$0x3FD0];
	(tm) =	ssettm $0x1  }
0x91: {  	s18 =	sld [smem:$0x3FFB];
	_ =	sdelay $0x3  }
0x92: {  	_ =	strace s18  }
0x93: {  	s3 =	sld [smem:$0x3FFC];
	_ =	sdelay $0x3  }
0x94: {  	_ =	strace s3  }
0x95: {  	s3 =	sld [smem:$0x3FFD];
	_ =	sdelay $0x3  }
0x96: {  	_ =	strace s3  }
0x97: {  	_ =	strace $0x8FFFFFFF  }
0x98: {  	s19 =	sld [smem:$0x3FDB];
	_ =	sdelay $0x1  }
0x99: {  	s4 =	simm.s32 $_scs_section_size  }
0x9a: {  	s5 =	simm.s32 $_size__tile_overlayer_lowered;
	s6 =	simm.s32 $_tile_overlayer_lowered  }
0x9b: {  	s22 =	simm.s32 $0x1BFF;
	s21 =	sshll.u32 s6, $0x1;
	s3 =	sadd.s32 s4, s19  }
0x9c: {  	s7 =	simm.s32 $0x0;
	s20 =	sshll.u32 s5, $0x1;
	s5 =	sadd.s32 s21, s3  }
0x9d: {  	[timem:s7], [sflag:s22] =	dma.local [hbm:s5], s20  }
0x9e: {  	_ =	swait.ge [sflag:s22], s20  }
0x9f: {  	s4 =	ssub.s32 $0x0, s20;
	[sflag:s22] =	ssyncset.done $0x0  }
0xa0: {  	[sflag:s22] =	ssyncadd.s32 s4;
	_ =	sdelay $0x1  }
0xa1: {  	s23 =	simm.s32 $0x1B8B  }
0xa2: {  	_ =	swait.ge [sflag:s23], $0x1  }
0xa3: {  	[sflag:s23] =	ssyncset.done $0x0  }
0xa4: {  	s25 =	simm.s32 $0x1B8E;
	s24 =	sld [smem:$0x3FFE];
	[sflag:s23] =	ssyncadd.s32 $0xFFFFFFFF  }
0xa5: {  	s26 =	simm.s32 $execute0_lowered;
	[smem:$0x3FD2] =	sst s25  }
0xa6: {  	s5 =	sshll.u32 s26, $0x1;
	_ =	strace $0x80000049;
	[dreg:$0x1] =	wrdreg $0xFFFFFFFF  }
0xa7: {  	s28 =	simm.s32 $_size_execute0_lowered;
	s3 =	sadd.s32 s3, s5;
	[dreg:$0x0] =	wrdreg $0x0  }
0xa8: {  	s5 =	sshll.u32 s28, $0x1;
	[dreg:$0x2] =	wrdreg s3  }
0xa9: {  	[dreg:$0x3] =	wrdreg s5  }
0xaa: {  	[dreg:$0x4] =	wrdreg $0xC0  }
0xab: {  	_ =	task [dreg:s7], $0x5FFFF  }
0xac: {  	[dreg:$0x1] =	wrdreg $0xFFFFFFFF  }
0xad: {  	[dreg:$0x0] =	wrdreg $0x60  }
0xae: {  	[dreg:$0x2] =	wrdreg s24  }
0xaf: {  	[dreg:$0x3] =	wrdreg s2  }
0xb0: {  	[dreg:$0x4] =	wrdreg $0x90000  }
0xb1: {  	[dreg:$0x5] =	wrdreg $0x9  }
0xb2: {  	_ =	task.clear_ibuf [dreg:s7], $0x6FFFF;
	_ =	strace $0x90000049  }
0xb3: {  	s29 =	simm.s32 $0x9;
	_ =	strace $0x8000004B  }
0xb4: {  	_ =	swait.ge [sflag:s29], $0x1  }
0xb5: {  	[sflag:s29] =	ssyncadd.s32 $0xFFFFFFFF  }
0xb6: {  	_ =	strace $0x9000004B  }
0xb7: {  	_ =	sfence  }
0xb8: {  	s30 =	sld [smem:$0x0];
	_ =	sdelay $0x2  }
0xb9: {  	s31 =	sshll.u32 s1, $0xD;
	s1 =	sshrl.u32 s1, $0x2  }
0xba: {  	s3 =	sand.u32 $0x4000, s31;
	s1 =	sadd.s32 s1, s30  }
0xbb: {  	s0 =	sor.u32 s3, s0;
	s1 =	sshll.u32 s1, $0x11  }
0xbc: {  	s0 =	sor.u32 s1, s0  }
0xbd: {  	s0 =	sadd.s32 $0x8F2B, s0  }
0xbe: {  	[sflag:s0] =	ssyncadd.remote.s32 $0x1  }
0xbf: {  	_ =	sfence.sel $0xFFFF  }
0xc0: {  	[dreg:$0x0] =	wrdreg $0xFFFFFFFF;
	(pc) =	sbr.abs _section_cstart, $3  }
0xc1: {  	[dreg:$0x1] =	wrdreg $0xFFFFFFFF  }
0xc2: {  	_ =	task.clear_ibuf [dreg:s7], $0x2FFFF;
	_ =	strace $0x9FFFFFFF  }
0xc3: {  	(tm) =	ssettm $0x7FFFFFFF  }
tec
execute0_lowered:
.L_overlay_start_1:
0x0: {  	(tag) =	ssettag $0x1  }
0x1: {  	s5 =	rddreg [dreg:$0x0]  }
0x2: {  	s6 =	rddreg [dreg:$0x1]  }
0x3: {  	s1 =	rddreg [dreg:$0x2]  }
0x4: {  	s0 =	rddreg [dreg:$0x3];
	s2 =	simm.s32 $0x0  }
0x5: {  	s7 =	srdreg.scid;
	s17 =	stileid.u32;
	s13 =	simm.s32 $0x4000  }
0x6: {  	s14 =	simm.s32 $0x6800;
	s16 =	simm.s32 $0x2;
	s19 =	simm.s32 $0x0  }
0x7: {  	[smem:$0x7FF] =	sst s2;
	s9 =	sadd.s32 $0x4ED800, s5;
	s3 =	sadd.s32 $0x1800, s5  }
0x8: {  	s4 =	sadd.s32 $0x28A00, s5;
	s8 =	sand.u32 $0x1, s7;
	s28 =	sshll.u32 s17, $0x1  }
0x9: {  	s5 =	sadd.s32 $0x4FC00, s5;
	p0 =	seq.s32 s17, $0x0;
	s29 =	smul.u32 $0x4E200, s17  }
0xa: {  	_ =	strace $0x8000004A;
	s10 =	ssub.s32 $0x2, s8;
	s7 =	sor.u32 s8, s28  }
0xb: {  	p1 =	seq.s32 s8, $0x1;
	s15 =	sor.u32 s8, s17;
	s30 =	smul.u32 $0x27100, s8  }
0xc: {  	s11 =	sshrl.u32 s10, $0x1;
	s12 =	sshll.u32 s7, $0xB;
	s7 =	smul.u32 $0x27100, s7  }
0xd: {  	p0 =	por !p0, !p1;
	s31 =	sadd.s32 s29, s9;
	p2 =	sne.s32 s15, $0x0  }
0xe: {  	s15 =	simm.s32 $0x50;
	s10 =	ssub.s32 s10, s11;
	s6 =	sadd.s32 s6, s12  }
0xf: {  	p1 =	por !p0, !p0;
	p0 =	sne.s32 s17, $0x0;
	s11 =	simm.s32 $0x1  }
0x10: {  	s18 =	sshll.u32 @!p2 s17, $0x6;
	s17 =	simm.s32 $0x3E00;
	s7 =	sadd.s32 s9, s7  }
0x11: {  	s8 =	smax.u32 s10, $0x1;
	s10 =	sadd.s32 s30, s31;
	s12 =	sshrl.u32 @!p0 s1, $0x3  }
0x12: {  	s18 =	sor.u32 @!p2 $0x1C03, s18;
	s9 =	sadd.s32 $0x500, s7;
	s10 =	sadd.s32 $0xA00, s10  }
.LBB2_1:
0x13: {  	[tilespmem:s2], [sflag:$0x1] =	stream.linear.gather [hbm4b:s6+s2], $0x3E80, $0x38;
	[tilespmem:$0x1C880] =	vst v63  }
0x14: {  	_ =	swait.ge [sflag:s11], $0x3E80  }
0x15: {  	[sflag:s11] =	ssyncset.done $0x0  }
0x16: {  	s20 =	simm.s32 @!p0 $0x1C03;
	[sflag:s11] =	ssyncadd.s32 $0xFFFFC180  }
0x17: {  	[spmem:s12], [sflag:s20] =	dma.local @!p0 [hbm:s3], $0x27100  }
0x18: {  	s20 =	simm.s32 @!p0 $0x3  }
0x19: {  	_ =	swait.ge @!p0 [sflag:s20], $0x27100  }
0x1a: {  	[sflag:s20] =	ssyncset.done @!p0 $0x0  }
0x1b: {  	[sflag:s20] =	ssyncadd.s32 @!p0 $0xFFFD8F00  }
0x1c: {  	[bflag:$0x0] =	sbarrier.arrive $0xFFFF  }
0x1d: {  	[tilespmem:s13], [sflag:$0x1] =	stream.linear.gather [hbm4b:s7+s2], $0x2800, $0x38;
	[tilespmem:$0x1C880] =	vst v63  }
0x1e: {  	_ = 	snop  }
0x1f: {  	[tilespmem:s14], [sflag:$0x1] =	stream.linear.gather [hbm4b:s9+s2], $0x2800, $0x38;
	[tilespmem:$0x1C880] =	vst v63  }
0x20: {  	s21 =	sand.u32 $0x1, s11;
	_ =	swait.ge [sflag:s11], $0x2800  }
0x21: {  	s30 =	sxor.u32 $0x1, s21;
	s21 =	smul.u32 $0xA000, s21;
	[sflag:s11] =	ssyncset.done $0x0  }
0x22: {  	s22 =	smul.u32 $0xA000, s30;
	[sflag:s11] =	ssyncadd.s32 $0xFFFFD800  }
0x23: {  	[spmem:s1] =	stream.indirect.scatter.add.f32 [tilespmem:s13], [sflag:$0x2], $0x80, s2, s15, $0xb8;
	[tilespmem:$0x1C880] =	vst v63  }
0x24: {  	s31 =	simm.s32 $0x2;
	s25 =	simm.s32 $0x3;
	_ =	swait.ge [sflag:s16], $0x2800  }
0x25: {  	s23 =	sshrl.u32 s21, $0x2;
	s22 =	sshrl.u32 s22, $0x2;
	[sflag:s16] =	ssyncset.done $0x0  }
0x26: {  	s21 =	sadd.s32 $0x500, s10;
	s22 =	sor.u32 $0x4000, s22;
	[sflag:s16] =	ssyncadd.s32 $0xFFFFD800  }
0x27: {  	[tilespmem:s22], [sflag:$0x1] =	stream.linear.gather [hbm4b:s10+s2], $0x2800, $0x38;
	[tilespmem:$0x1C880] =	vst v63  }
0x28: {  	s24 =	sor.u32 $0x4000, s23;
	s23 =	simm.s32 $0x80;
	_ =	swait.ge [sflag:s11], $0x2800  }
0x29: {  	s20 =	simm.s32 $0x80;
	s22 =	sand.u32 $0x1, s31;
	[sflag:s11] =	ssyncset.done $0x0  }
.LBB2_2:
0x2a: {  	s26 =	sxor.u32 $0x1, s22  }
0x2b: {  	s20 =	sadd.s32 $0x80, s20;
	s28 =	smov.u32 s25;
	s29 =	sadd.s32 $0x1, s25  }
0x2c: {  	p3 =	sne.s32 s25, $0x7B;
	s25 =	smul.u32 $0xA000, s26;
	[sflag:s11] =	ssyncadd.s32 $0xFFFFD800  }
0x2d: {  	[spmem:s1] =	stream.indirect.scatter.add.f32 [tilespmem:s24], [sflag:$0x2], $0x80, s23, s15, $0xb8;
	[tilespmem:$0x1C880] =	vst v63  }
0x2e: {  	s23 =	smov.u32 s20;
	_ =	swait.ge [sflag:s16], $0x2800;
	s24 =	sshrl.u32 s25, $0x2  }
.Ltmp0:
0x2f: {  	[sflag:s16] =	ssyncset.done $0x0;
	s24 =	sor.u32 $0x4000, s24;
	(pc) =	sbr.rel @p3 .LBB2_2-.Ltmp0, $4  }
0x30: {  	s22 =	smul.u32 $0xA000, s22;
	s25 =	smov.u32 s29;
	[sflag:s16] =	ssyncadd.s32 $0xFFFFD800  }
0x31: {  	[tilespmem:s24], [sflag:$0x1] =	stream.linear.gather [hbm4b:s21+s2], $0x2800, $0x38;
	[tilespmem:$0x1C880] =	vst v63  }
0x32: {  	s24 =	sshrl.u32 s22, $0x2;
	s21 =	sadd.s32 $0x500, s21;
	_ =	swait.ge [sflag:s11], $0x2800  }
0x33: {  	s22 =	sand.u32 $0x1, s28;
	s24 =	sor.u32 $0x4000, s24;
	[sflag:s11] =	ssyncset.done $0x0  }
0x34: {  	s25 =	sxor.u32 $0x1, s22  }
0x35: {  	[sflag:s11] =	ssyncadd.s32 $0xFFFFD800;
	s25 =	smul.u32 $0xA000, s25  }
0x36: {  	[spmem:s1] =	stream.indirect.scatter.add.f32 [tilespmem:s24], [sflag:$0x2], $0x80, s23, s15, $0xb8;
	[tilespmem:$0x1C880] =	vst v63  }
0x37: {  	_ =	swait.ge [sflag:s16], $0x2800  }
0x38: {  	s29 =	sshrl.u32 s25, $0x2;
	[sflag:s16] =	ssyncset.done $0x0  }
0x39: {  	s30 =	smul.u32 $0xA000, s22;
	s23 =	sor.u32 $0x4000, s29;
	[sflag:s16] =	ssyncadd.s32 $0xFFFFD800  }
0x3a: {  	[tilespmem:s23], [sflag:$0x1] =	stream.linear.gather [hbm4b:s21+s2], $0x2800, $0x38;
	[tilespmem:$0x1C880] =	vst v63  }
0x3b: {  	_ =	swait.ge [sflag:s11], $0x2800  }
0x3c: {  	s31 =	sshrl.u32 s30, $0x2;
	[sflag:s11] =	ssyncset.done $0x0  }
0x3d: {  	s20 =	sadd.s32 $0x80, s20;
	s21 =	sor.u32 $0x4000, s31;
	[sflag:s11] =	ssyncadd.s32 $0xFFFFD800  }
0x3e: {  	[spmem:s1] =	stream.indirect.scatter.add.f32 [tilespmem:s21], [sflag:$0x2], $0x80, s20, s15, $0xb8;
	[tilespmem:$0x1C880] =	vst v63  }
0x3f: {  	_ =	swait.ge [sflag:s16], $0x2800  }
0x40: {  	[sflag:s16] =	ssyncset.done $0x0  }
0x41: {  	[sflag:s16] =	ssyncadd.s32 $0xFFFFD800  }
0x42: {  	_ =	swait.ge [sflag:s11], $0x2800  }
0x43: {  	[sflag:s11] =	ssyncset.done $0x0  }
0x44: {  	[sflag:s11] =	ssyncadd.s32 $0xFFFFD800  }
0x45: {  	[spmem:s1] =	stream.indirect.scatter.add.f32 [tilespmem:s13], [sflag:$0x2], $0x80, s17, s15, $0xb8;
	[tilespmem:$0x1C880] =	vst v63  }
0x46: {  	_ =	swait.ge [sflag:s16], $0x2800  }
0x47: {  	[sflag:s16] =	ssyncset.done $0x0  }
0x48: {  	[sflag:s16] =	ssyncadd.s32 $0xFFFFD800  }
0x49: {  	s20 =	sshrl.u32 @!p2 s1, $0x3;
	[bflag:$0x0] =	sbarrier.arrive $0xFFFF  }
0x4a: {  	[hbm:s4], [sflag:s18] =	dma.local @!p2 [spmem:s20], $0x27100  }
0x4b: {  	s20 =	simm.s32 @!p2 $0x3  }
0x4c: {  	s19 =	sadd.s32 $0x1, s19;
	_ =	swait.ge @!p2 [sflag:s20], $0x27100  }
0x4d: {  	p3 =	sne.s32 s19, s8;
	[sflag:s20] =	ssyncset.done @!p2 $0x0  }
0x4e: {  	s21 =	simm.s32 @p1 $0x1C03;
	[sflag:s20] =	ssyncadd.s32 @!p2 $0xFFFD8F00;
	s20 =	sshrl.u32 @p1 s1, $0x3  }
0x4f: {  	[hbm:s5], [sflag:s21] =	dma.local @p1 [spmem:s20], $0x27100  }
.Ltmp1:
0x50: {  	_ = 	snop;
	(pc) =	sbr.rel @p3 .LBB2_1-.Ltmp1, $4  }
0x51: {  	s20 =	simm.s32 @p1 $0x3  }
0x52: {  	_ =	swait.ge @p1 [sflag:s20], $0x27100  }
0x53: {  	[sflag:s20] =	ssyncset.done @p1 $0x0  }
0x54: {  	[sflag:s20] =	ssyncadd.s32 @p1 $0xFFFD8F00  }
0x55: {  	_ =	sfence.sel $0x180000  }
0x56: {  	[bflag:$0x0] =	sbarrier.arrive $0xFFFF  }
0x57: {  	_ =	strace $0x9000004A  }
0x58: {  	s0 =	sadd.s32 @!p0 $0x100000, s0;
	[bflag:$0x2] =	sbarrier.arrive $0xFFFF  }
0x59: {  	[sflag:s0] =	ssyncadd.tile.s32 @!p0 $0x1;
	_ =	shalt  }
.Lfunc_end2:
_tile_overlayer_lowered:
.L_overlay_start_2:
0x5a: {  	(tag) =	ssettag $0x2  }
0x5b: {  	s0 =	rddreg [dreg:$0x0];
	s2 =	stileid.u32  }
0x5c: {  	s1 =	rddreg [dreg:$0x1];
	p0 =	sne.s32 s2, $0x0  }
0x5d: {  	s3 =	rddreg [dreg:$0x2];
	[bflag:$0x3] =	sbarrier.arrive $0xFFFF;
	s2 =	simm.s32 @!p0 $0x1C03  }
0x5e: {  	[timem:s3], [sflag:s2] =	dma.local @!p0 [hbm:s0], s1  }
0x5f: {  	s0 =	simm.s32 @!p0 $0x3  }
0x60: {  	_ =	swait.ge @!p0 [sflag:s0], s1  }
0x61: {  	s1 =	ssub.s32 @!p0 $0x0, s1;
	[sflag:s0] =	ssyncset.done @!p0 $0x0  }
0x62: {  	[sflag:s0] =	ssyncadd.s32 @!p0 s1  }
0x63: {  	[bflag:$0x3] =	sbarrier.arrive $0xFFFF  }
0x64: {  	_ =	shalt  }

</sc_bundles>
